<compile_context>
chip_gen: v7x
topology: tpu7x:2x2x1
jax: 0.10.2.dev20260603
libtpu: 0.0.44.dev20260713+nightly
codegen_flags: <defaults>
</compile_context>

<pallas_src>
import functools

import jax
import jax.numpy as jnp
from jax import lax
from jax.experimental import pallas as pl
from jax.experimental.pallas import tpu as pltpu
from jax.experimental.pallas import tpu_sc as plsc

N = 2_000_000


def _build(NB=4, GS=512, NW=32, PTS_W=65_536, WA=2048, WB=1024, WC=512,
           CHUNK=128, interpret=False):
    N_P = NW * PTS_W
    CELLS = NB * GS * GS
    CPB = CELLS // NW
    SH = CPB.bit_length() - 1
    SHA = SH - (GS.bit_length() - 1)
    NLANE = 16
    NBIN = NW + 1
    WF = min(2048, CPB)
    HALF = N_P // 2 + 8 * NBIN + WC
    TOT = 2 * HALF

    mesh = plsc.VectorSubcoreMesh(core_axis_name="c", subcore_axis_name="s",
                                  num_cores=2, num_subcores=16)
    params = pltpu.CompilerParams(needs_layout_passes=False,
                                  use_tc_tiling_on_sc=False)

    def _wid():
        return lax.axis_index("c") * 16 + lax.axis_index("s")

    iota = lambda: lax.iota(jnp.int32, 16)

    @functools.partial(
        pl.kernel,
        out_type=jax.ShapeDtypeStruct((NW, NLANE * NBIN), jnp.int32),
        mesh=mesh,
        compiler_params=params,
        interpret=interpret,
        scratch_types=[
            pltpu.VMEM((NLANE * NBIN,), jnp.int32),
            pltpu.VMEM((WA,), jnp.int32),
            pltpu.VMEM((WA,), jnp.int32),
        ],
    )
    def phase_a(b_hbm, r_hbm, counts_hbm, cnt_v, bwin, rwin):
        wid = _wid()
        io = iota()
        zero16 = jnp.zeros((16,), jnp.int32)

        def z(k, carry):
            cnt_v[pl.ds(k * 16, 16)] = zero16
            return carry

        lax.fori_loop(0, NBIN, z, 0)

        def win(g, carry):
            base = wid * PTS_W + g * WA
            pltpu.sync_copy(b_hbm.at[pl.ds(base, WA)], bwin)
            pltpu.sync_copy(r_hbm.at[pl.ds(base, WA)], rwin)

            def vr(k, c2):
                bv = bwin[pl.ds(k * 16, 16)]
                rv = rwin[pl.ds(k * 16, 16)]
                binv = (bv * GS + rv) >> SHA
                pidx = io * NBIN + binv
                cur = plsc.load_gather(cnt_v, [pidx])
                plsc.store_scatter(cnt_v, [pidx], cur + 1)
                return c2

            return lax.fori_loop(0, WA // 16, vr, carry)

        lax.fori_loop(0, PTS_W // WA, win, 0)
        pltpu.sync_copy(cnt_v, counts_hbm.at[wid])

    @functools.partial(
        pl.kernel,
        out_type=(
            jax.ShapeDtypeStruct((2 * CELLS,), jnp.int32),
            jax.ShapeDtypeStruct((2 * 2 * CELLS,), jnp.float32),
        ),
        mesh=mesh,
        compiler_params=params,
        interpret=interpret,
        scratch_types=[
            pltpu.HBM((TOT, 16), jnp.int32),
            pltpu.VMEM((NLANE * NBIN,), jnp.int32),
            pltpu.VMEM((WB,), jnp.int32),
            pltpu.VMEM((WB,), jnp.int32),
            pltpu.VMEM((WB,), jnp.int32),
            pltpu.VMEM((2 * WB,), jnp.float32),
            pltpu.VMEM((WB, 16), jnp.int32),
            pltpu.VMEM((WB // CHUNK, CHUNK), jnp.int32),
            pltpu.VMEM((CPB,), jnp.int32),
            pltpu.VMEM((2 * CPB,), jnp.float32),
            pltpu.VMEM((WC, 16), jnp.int32),
            pltpu.VMEM((2, 2, 16), jnp.int32),
            pltpu.SemaphoreType.DMA,
        ],
    )
    def phase_bc(b_hbm, r_hbm, c_hbm, reg_hbm, bases_hbm, seg_hbm,
                 win_hbm, ev_hbm,
                 binned_hbm, ptr_v, bwin, rwin, cwin, regwin, recbuf, destb,
                 win_v, ev, recwin, segw, sem):
        wid = _wid()
        sc = lax.axis_index("c")
        t = lax.axis_index("s")
        io = iota()
        zero16f = jnp.zeros((16,), jnp.float32)
        neg1 = jnp.zeros((16,), jnp.int32) - 1
        col0 = jnp.zeros((16,), jnp.int32)
        col1 = col0 + 1
        col2 = col0 + 2
        col3 = col0 + 3

        pltpu.sync_copy(bases_hbm.at[wid], ptr_v)
        pltpu.sync_copy(seg_hbm.at[wid], segw)

        def win(g, carry):
            base = wid * PTS_W + g * WB
            pltpu.sync_copy(b_hbm.at[pl.ds(base, WB)], bwin)
            pltpu.sync_copy(r_hbm.at[pl.ds(base, WB)], rwin)
            pltpu.sync_copy(c_hbm.at[pl.ds(base, WB)], cwin)
            pltpu.sync_copy(reg_hbm.at[pl.ds(2 * base, 2 * WB)], regwin)

            def vr(k, c2):
                loc = k * 16
                lv = loc + io
                bv = bwin[pl.ds(loc, 16)]
                rv = rwin[pl.ds(loc, 16)]
                cv = cwin[pl.ds(loc, 16)]
                cell = (bv * GS + rv) * GS + cv
                binv = cell >> SH
                pidx = io * NBIN + binv
                pv = plsc.load_gather(ptr_v, [pidx])
                plsc.store_scatter(ptr_v, [pidx], pv + 1)
                loc2 = 2 * lv
                r0 = plsc.bitcast(plsc.load_gather(regwin, [loc2]),
                                  jnp.int32)
                r1 = plsc.bitcast(plsc.load_gather(regwin, [loc2 + 1]),
                                  jnp.int32)
                plsc.store_scatter(recbuf, [lv, col0], cell & (CPB - 1))
                plsc.store_scatter(recbuf, [lv, col1], base + lv)
                plsc.store_scatter(recbuf, [lv, col2], r0)
                plsc.store_scatter(recbuf, [lv, col3], r1)
                rowv = col0 + (k // (CHUNK // 16))
                cpos = (k % (CHUNK // 16)) * 16 + io
                plsc.store_scatter(destb, [rowv, cpos], pv)
                return c2

            lax.fori_loop(0, WB // 16, vr, 0)

            def chs(ch, c3):
                pltpu.async_copy(recbuf.at[pl.ds(ch * CHUNK, CHUNK), :],
                                 binned_hbm.at[destb.at[ch]], sem).wait()
                return c3

            return lax.fori_loop(0, WB // CHUNK, chs, carry)

        lax.fori_loop(0, PTS_W // WB, win, 0)

        plsc.subcore_barrier()

        for j in (0, 1):
            binj = 2 * t + j
            start = pl.multiple_of(jnp.max(segw[j, 0, :]), 8)
            cnt = jnp.max(segw[j, 1, :])

            def zw(k, carry):
                win_v[pl.ds(k * 16, 16)] = neg1
                return carry

            lax.fori_loop(0, CPB // 16, zw, 0)

            def ze(k, carry):
                ev[pl.ds(k * 16, 16)] = zero16f
                return carry

            lax.fori_loop(0, 2 * CPB // 16, ze, 0)

            nwin = (cnt + WC - 1) // WC

            def c1(g, carry):
                pltpu.sync_copy(binned_hbm.at[pl.ds(start + g * WC, WC)],
                                recwin)

                def vr(k, c2):
                    lv = k * 16 + io
                    valid = (g * WC + lv) < cnt
                    cellv = plsc.load_gather(recwin, [lv, col0]) & (CPB - 1)
                    iv = plsc.load_gather(recwin, [lv, col1])
                    ivs = jnp.where(valid, iv, -1)
                    cur = plsc.load_gather(win_v, [cellv])

                    def cond(cu):
                        return jnp.any(ivs > cu)

                    def body(cu):
                        plsc.store_scatter(win_v, [cellv], ivs,
                                           mask=ivs > cu)
                        return plsc.load_gather(win_v, [cellv])

                    lax.while_loop(cond, body, cur)
                    return c2

                return lax.fori_loop(0, WC // 16, vr, carry)

            lax.fori_loop(0, nwin, c1, 0)

            def c2p(g, carry):
                pltpu.sync_copy(binned_hbm.at[pl.ds(start + g * WC, WC)],
                                recwin)

                def vr(k, c2):
                    lv = k * 16 + io
                    valid = (g * WC + lv) < cnt
                    cellv = plsc.load_gather(recwin, [lv, col0]) & (CPB - 1)
                    iv = plsc.load_gather(recwin, [lv, col1])
                    ivs = jnp.where(valid, iv, -1)
                    r0 = plsc.bitcast(plsc.load_gather(recwin, [lv, col2]),
                                      jnp.float32)
                    r1 = plsc.bitcast(plsc.load_gather(recwin, [lv, col3]),
                                      jnp.float32)
                    w = plsc.load_gather(win_v, [cellv])
                    mok = (ivs == w) & valid
                    plsc.store_scatter(ev, [cellv * 2], r0, mask=mok)
                    plsc.store_scatter(ev, [cellv * 2 + 1], r1, mask=mok)
                    return c2

                return lax.fori_loop(0, WC // 16, vr, carry)

            lax.fori_loop(0, nwin, c2p, 0)

            pltpu.sync_copy(win_v,
                            win_hbm.at[pl.ds(sc * CELLS + binj * CPB, CPB)])
            pltpu.sync_copy(
                ev,
                ev_hbm.at[pl.ds(2 * sc * CELLS + binj * 2 * CPB, 2 * CPB)])

    @functools.partial(
        pl.kernel,
        out_type=jax.ShapeDtypeStruct((2 * CELLS,), jnp.float32),
        mesh=mesh,
        compiler_params=params,
        interpret=interpret,
        scratch_types=[
            pltpu.VMEM((WF,), jnp.int32),
            pltpu.VMEM((WF,), jnp.int32),
            pltpu.VMEM((2 * WF,), jnp.float32),
            pltpu.VMEM((2 * WF,), jnp.float32),
            pltpu.VMEM((2 * WF,), jnp.float32),
        ],
    )
    def merge(win_hbm, ev_hbm, conf_hbm, wa, wb, ea, eb, outw):
        wid = _wid()
        io = iota()

        def fw(g, carry):
            cbase = wid * CPB + g * WF
            pltpu.sync_copy(win_hbm.at[pl.ds(cbase, WF)], wa)
            pltpu.sync_copy(win_hbm.at[pl.ds(CELLS + cbase, WF)], wb)
            pltpu.sync_copy(ev_hbm.at[pl.ds(2 * cbase, 2 * WF)], ea)
            pltpu.sync_copy(ev_hbm.at[pl.ds(2 * CELLS + 2 * cbase, 2 * WF)],
                            eb)

            def vr(k, c2):
                lv = k * 16 + io
                lv2 = lv * 2
                wav = wa[pl.ds(k * 16, 16)]
                wbv = wb[pl.ds(k * 16, 16)]
                sel = wbv > wav
                v0a = plsc.load_gather(ea, [lv2])
                v1a = plsc.load_gather(ea, [lv2 + 1])
                v0b = plsc.load_gather(eb, [lv2])
                v1b = plsc.load_gather(eb, [lv2 + 1])
                v0 = jnp.where(sel, v0b, v0a)
                v1 = jnp.where(sel, v1b, v1a)
                m = jnp.maximum(v0, v1)
                e0 = jnp.exp(v0 - m)
                e1 = jnp.exp(v1 - m)
                s = e0 + e1
                plsc.store_scatter(outw, [lv2], e0 / s)
                plsc.store_scatter(outw, [lv2 + 1], e1 / s)
                return c2

            lax.fori_loop(0, WF // 16, vr, 0)
            pltpu.sync_copy(outw, conf_hbm.at[pl.ds(2 * cbase, 2 * WF)])
            return carry

        lax.fori_loop(0, CPB // WF, fw, 0)

    def run(reg, batch_idx, row_idx, col_idx, n, debug=False):
        pad = N_P - n
        i32 = jnp.int32
        b_p = jnp.concatenate([batch_idx.astype(i32),
                               jnp.full((pad,), NB, i32)])
        r_p = jnp.concatenate([row_idx.astype(i32),
                               jnp.zeros((pad,), i32)])
        c_p = jnp.concatenate([col_idx.astype(i32),
                               jnp.zeros((pad,), i32)])
        reg_p = jnp.concatenate([reg, jnp.zeros((pad, 2), reg.dtype)])

        counts = phase_a(b_p, r_p)
        cnts = counts.reshape(NW, NLANE, NBIN)
        bases_l, segs_l, tots_l = [], [], []
        for s in (0, 1):
            sub = cnts[s * 16:(s + 1) * 16]
            per_bin = sub.transpose(2, 0, 1).reshape(NBIN, 16 * NLANE)
            tot = per_bin.sum(axis=1)
            tot_pad = ((tot + 7) // 8) * 8
            segstart = s * HALF + jnp.concatenate(
                [jnp.zeros((1,), i32),
                 jnp.cumsum(tot_pad).astype(i32)])[:NBIN]
            within = jnp.cumsum(per_bin, axis=1).astype(i32) - per_bin
            bases = (segstart[:, None] + within).reshape(NBIN, 16, NLANE)
            bases_l.append(bases.transpose(1, 2, 0).reshape(16,
                                                            NLANE * NBIN))
            segs_l.append(segstart[:NW])
            tots_l.append(tot[:NW].astype(i32))
        bases = jnp.concatenate(bases_l, axis=0)

        seg_rows = []
        for s in (0, 1):
            st = segs_l[s].reshape(16, 2)
            ct = tots_l[s].reshape(16, 2)
            seg_rows.append(jnp.stack([st, ct], axis=2))
        seg = jnp.concatenate(seg_rows, axis=0)
        seg = jnp.broadcast_to(seg[:, :, :, None],
                               (NW, 2, 2, 16)).astype(i32)

        win_o, ev_o = phase_bc(b_p, r_p, c_p, reg_p.reshape(-1),
                               bases, seg)
        conf_flat = merge(win_o, ev_o)
        if debug:
            return dict(counts=counts, bases=bases, seg=seg,
                        win=win_o, ev=ev_o,
                        conf=conf_flat.reshape(NB, GS, GS, 2))
        return conf_flat.reshape(NB, GS, GS, 2)

    return run


_run = _build()


def kernel(reg, batch_idx, row_idx, col_idx):
    return _run(reg, batch_idx, row_idx, col_idx, N)

# --- scband reference (transcript-rebuilt; emitter-appended) ---
"""Pipeline reference for scband-hbev-48576080117800 (READ-ONLY COPY).

The authoritative reference and input builder live on the scoring server;
editing this copy changes nothing except your own understanding.
"""

import jax, jax.numpy as jnp
import numpy as np

BATCH = 4
SIZE = 256  # grid is (2*SIZE, 2*SIZE)
N = 2000000

def setup_inputs(seed: int = 0) -> dict:
    key = jax.random.key(seed)
    k1, k2, k3, k4 = jax.random.split(key, 4)
    reg = jax.random.normal(k1, (N, 2), dtype=jnp.float32)
    batch_idx = jax.random.randint(k2, (N,), 0, BATCH, dtype=jnp.int64 if jax.config.jax_enable_x64 else jnp.int32).astype(jnp.int32)
    row_idx = jax.random.randint(k3, (N,), 0, 2 * SIZE).astype(jnp.int32)
    col_idx = jax.random.randint(k4, (N,), 0, 2 * SIZE).astype(jnp.int32)
    return {"reg": reg, "batch_idx": batch_idx, "row_idx": row_idx, "col_idx": col_idx}

def reference(reg, batch_idx, row_idx, col_idx):
    # Faithful translation of BEV.draw_distribution:
    #   evidence = zeros((B, 2*size, 2*size, 2))
    #   evidence[inds[0], inds[1], inds[2]] = reg_evi   (scatter overwrite)
    #   return evidence.softmax(dim=-1)
    evidence = jnp.zeros((BATCH, 2 * SIZE, 2 * SIZE, 2), dtype=reg.dtype)
    evidence = evidence.at[batch_idx, row_idx, col_idx].set(reg)
    conf = jax.nn.softmax(evidence, axis=-1)
    return conf

if __name__ == "__main__":
    import jax
    _d = setup_inputs()
    print(jax.jit(kernel)(*tuple(_d.values())))

</pallas_src>

<mosaic_0001>
#map = affine_map<(d0, d1) -> (0)>
module attributes {stable_mosaic.version = 14 : i64} {
  func.func @merge(%arg0: i32, %arg1: i32, %arg2: memref<2097152xi32, #tpu.memory_space<hbm>>, %arg3: memref<4194304xf32, #tpu.memory_space<hbm>>, %arg4: memref<2097152xf32, #tpu.memory_space<hbm>>, %arg5: memref<2048xi32, #tpu.memory_space<vmem>>, %arg6: memref<2048xi32, #tpu.memory_space<vmem>>, %arg7: memref<4096xf32, #tpu.memory_space<vmem>>, %arg8: memref<4096xf32, #tpu.memory_space<vmem>>, %arg9: memref<4096xf32, #tpu.memory_space<vmem>>) attributes {dimension_semantics = [#tpu.dimension_semantics<core_parallel>, #tpu.dimension_semantics<subcore_parallel>], iteration_bounds = array<i64: 2, 16>, scalar_prefetch = 0 : i64, scratch_operands = 5 : i64, tpu.core_type = #tpu.core_type<sc_vector_subcore>, window_params = [{transform_indices = #map}, {transform_indices = #map}, {transform_indices = #map}]} {
    %mul3A = arith.constant 16 : i32
    %mul3A_0 = arith.muli %arg0, %mul3A : i32
    %add3A = arith.addi %mul3A_0, %arg1 : i32
    %iota3A = tpu.iota {dimensions = array<i32: 0>} : vector<16xi32>
    %scan3A = arith.constant 0 : i32
    %scan3A_1 = arith.constant 0 : i32
    %scan3A_2 = arith.constant 16 : i32
    %scan3A_3 = arith.addi %scan3A_1, %scan3A_2 : i32
    %scan3A_4 = arith.constant 1 : i32
    scf.for %scan3A_6 = %scan3A_1 to %scan3A_3 step %scan3A_4  : i32 {
      %mul3A_7 = arith.constant 32768 : i32
      %mul3A_8 = arith.muli %add3A, %mul3A_7 : i32
      %mul3A_9 = arith.constant 2048 : i32
      %mul3A_10 = arith.muli %scan3A_6, %mul3A_9 : i32
      %add3A_11 = arith.addi %mul3A_8, %mul3A_10 : i32
      "tpu.region"() ({
        %run_scoped3A = tpu.sem_alloc : memref<!tpu.dma_semaphore, #tpu.memory_space<semaphore_mem>>
        %dma_start3A = tpu.memref_slice %arg2[%add3A_11] : memref<2097152xi32, #tpu.memory_space<hbm>> -> memref<2048xi32, #tpu.memory_space<hbm>>
        %dma_start3A_28 = tpu.memref_slice %arg2[%add3A_11] : memref<2097152xi32, #tpu.memory_space<hbm>> -> memref<2048xi32, #tpu.memory_space<hbm>>
        tpu.enqueue_dma source(%dma_start3A_28 : memref<2048xi32, #tpu.memory_space<hbm>>) target(%arg5 : memref<2048xi32, #tpu.memory_space<vmem>>) target_semaphore(%run_scoped3A : memref<!tpu.dma_semaphore, #tpu.memory_space<semaphore_mem>>)
        %dma_wait3A = tpu.memref_slice %arg2[%add3A_11] : memref<2097152xi32, #tpu.memory_space<hbm>> -> memref<2048xi32, #tpu.memory_space<hbm>>
        %dma_wait3A_29 = tpu.memref_slice %arg2[%add3A_11] : memref<2097152xi32, #tpu.memory_space<hbm>> -> memref<2048xi32, #tpu.memory_space<hbm>>
        tpu.wait_dma2 semaphore(%run_scoped3A : memref<!tpu.dma_semaphore, #tpu.memory_space<semaphore_mem>>) src(%dma_wait3A_29 : memref<2048xi32, #tpu.memory_space<hbm>>) dst(%arg5 : memref<2048xi32, #tpu.memory_space<vmem>>)
        tpu.yield
      }) : () -> ()
      %add3A_12 = arith.constant 1048576 : i32
      %add3A_13 = arith.addi %add3A_12, %add3A_11 : i32
      "tpu.region"() ({
        %run_scoped3A = tpu.sem_alloc : memref<!tpu.dma_semaphore, #tpu.memory_space<semaphore_mem>>
        %dma_start3A = tpu.memref_slice %arg2[%add3A_13] : memref<2097152xi32, #tpu.memory_space<hbm>> -> memref<2048xi32, #tpu.memory_space<hbm>>
        %dma_start3A_28 = tpu.memref_slice %arg2[%add3A_13] : memref<2097152xi32, #tpu.memory_space<hbm>> -> memref<2048xi32, #tpu.memory_space<hbm>>
        tpu.enqueue_dma source(%dma_start3A_28 : memref<2048xi32, #tpu.memory_space<hbm>>) target(%arg6 : memref<2048xi32, #tpu.memory_space<vmem>>) target_semaphore(%run_scoped3A : memref<!tpu.dma_semaphore, #tpu.memory_space<semaphore_mem>>)
        %dma_wait3A = tpu.memref_slice %arg2[%add3A_13] : memref<2097152xi32, #tpu.memory_space<hbm>> -> memref<2048xi32, #tpu.memory_space<hbm>>
        %dma_wait3A_29 = tpu.memref_slice %arg2[%add3A_13] : memref<2097152xi32, #tpu.memory_space<hbm>> -> memref<2048xi32, #tpu.memory_space<hbm>>
        tpu.wait_dma2 semaphore(%run_scoped3A : memref<!tpu.dma_semaphore, #tpu.memory_space<semaphore_mem>>) src(%dma_wait3A_29 : memref<2048xi32, #tpu.memory_space<hbm>>) dst(%arg6 : memref<2048xi32, #tpu.memory_space<vmem>>)
        tpu.yield
      }) : () -> ()
      %mul3A_14 = arith.constant 2 : i32
      %mul3A_15 = arith.muli %mul3A_14, %add3A_11 : i32
      "tpu.region"() ({
        %run_scoped3A = tpu.sem_alloc : memref<!tpu.dma_semaphore, #tpu.memory_space<semaphore_mem>>
        %dma_start3A = tpu.memref_slice %arg3[%mul3A_15] : memref<4194304xf32, #tpu.memory_space<hbm>> -> memref<4096xf32, #tpu.memory_space<hbm>>
        %dma_start3A_28 = tpu.memref_slice %arg3[%mul3A_15] : memref<4194304xf32, #tpu.memory_space<hbm>> -> memref<4096xf32, #tpu.memory_space<hbm>>
        tpu.enqueue_dma source(%dma_start3A_28 : memref<4096xf32, #tpu.memory_space<hbm>>) target(%arg7 : memref<4096xf32, #tpu.memory_space<vmem>>) target_semaphore(%run_scoped3A : memref<!tpu.dma_semaphore, #tpu.memory_space<semaphore_mem>>)
        %dma_wait3A = tpu.memref_slice %arg3[%mul3A_15] : memref<4194304xf32, #tpu.memory_space<hbm>> -> memref<4096xf32, #tpu.memory_space<hbm>>
        %dma_wait3A_29 = tpu.memref_slice %arg3[%mul3A_15] : memref<4194304xf32, #tpu.memory_space<hbm>> -> memref<4096xf32, #tpu.memory_space<hbm>>
        tpu.wait_dma2 semaphore(%run_scoped3A : memref<!tpu.dma_semaphore, #tpu.memory_space<semaphore_mem>>) src(%dma_wait3A_29 : memref<4096xf32, #tpu.memory_space<hbm>>) dst(%arg7 : memref<4096xf32, #tpu.memory_space<vmem>>)
        tpu.yield
      }) : () -> ()
      %mul3A_16 = arith.constant 2 : i32
      %mul3A_17 = arith.muli %mul3A_16, %add3A_11 : i32
      %add3A_18 = arith.constant 2097152 : i32
      %add3A_19 = arith.addi %add3A_18, %mul3A_17 : i32
      "tpu.region"() ({
        %run_scoped3A = tpu.sem_alloc : memref<!tpu.dma_semaphore, #tpu.memory_space<semaphore_mem>>
        %dma_start3A = tpu.memref_slice %arg3[%add3A_19] : memref<4194304xf32, #tpu.memory_space<hbm>> -> memref<4096xf32, #tpu.memory_space<hbm>>
        %dma_start3A_28 = tpu.memref_slice %arg3[%add3A_19] : memref<4194304xf32, #tpu.memory_space<hbm>> -> memref<4096xf32, #tpu.memory_space<hbm>>
        tpu.enqueue_dma source(%dma_start3A_28 : memref<4096xf32, #tpu.memory_space<hbm>>) target(%arg8 : memref<4096xf32, #tpu.memory_space<vmem>>) target_semaphore(%run_scoped3A : memref<!tpu.dma_semaphore, #tpu.memory_space<semaphore_mem>>)
        %dma_wait3A = tpu.memref_slice %arg3[%add3A_19] : memref<4194304xf32, #tpu.memory_space<hbm>> -> memref<4096xf32, #tpu.memory_space<hbm>>
        %dma_wait3A_29 = tpu.memref_slice %arg3[%add3A_19] : memref<4194304xf32, #tpu.memory_space<hbm>> -> memref<4096xf32, #tpu.memory_space<hbm>>
        tpu.wait_dma2 semaphore(%run_scoped3A : memref<!tpu.dma_semaphore, #tpu.memory_space<semaphore_mem>>) src(%dma_wait3A_29 : memref<4096xf32, #tpu.memory_space<hbm>>) dst(%arg8 : memref<4096xf32, #tpu.memory_space<vmem>>)
        tpu.yield
      }) : () -> ()
      %scan3A_20 = arith.constant 0 : i32
      %scan3A_21 = arith.constant 0 : i32
      %scan3A_22 = arith.constant 128 : i32
      %scan3A_23 = arith.addi %scan3A_21, %scan3A_22 : i32
      %scan3A_24 = arith.constant 1 : i32
      scf.for %scan3A_28 = %scan3A_21 to %scan3A_23 step %scan3A_24  : i32 {
        %mul3A_29 = arith.constant 16 : i32
        %mul3A_30 = arith.muli %scan3A_28, %mul3A_29 : i32
        %add3A_31 = vector.broadcast %mul3A_30 : i32 to vector<16xi32>
        %add3A_32 = arith.addi %add3A_31, %iota3A : vector<16xi32>
        %mul3A_33 = arith.constant 2 : i32
        %mul3A_34 = vector.broadcast %mul3A_33 : i32 to vector<16xi32>
        %mul3A_35 = arith.muli %add3A_32, %mul3A_34 : vector<16xi32>
        %mul3A_36 = arith.constant 16 : i32
        %mul3A_37 = arith.muli %scan3A_28, %mul3A_36 : i32
        %get3A = arith.index_cast %mul3A_37 : i32 to index
        %get3A_38 = tpu.vector_load %arg5[%get3A] {strides = array<i32>} : memref<2048xi32, #tpu.memory_space<vmem>>, vector<16xi32>,
        %mul3A_39 = arith.constant 16 : i32
        %mul3A_40 = arith.muli %scan3A_28, %mul3A_39 : i32
        %get3A_41 = arith.index_cast %mul3A_40 : i32 to index
        %get3A_42 = tpu.vector_load %arg6[%get3A_41] {strides = array<i32>} : memref<2048xi32, #tpu.memory_space<vmem>>, vector<16xi32>,
        %gt3A = arith.cmpi sgt, %get3A_42, %get3A_38 : vector<16xi32>
        %gather3A = tpu.vector_load_idx %arg7[%mul3A_35] : memref<4096xf32, #tpu.memory_space<vmem>>[vector<16xi32>], vector<16xf32>,
        %add3A_43 = arith.constant 1 : i32
        %add3A_44 = vector.broadcast %add3A_43 : i32 to vector<16xi32>
        %add3A_45 = arith.addi %mul3A_35, %add3A_44 : vector<16xi32>
        %gather3A_46 = tpu.vector_load_idx %arg7[%add3A_45] : memref<4096xf32, #tpu.memory_space<vmem>>[vector<16xi32>], vector<16xf32>,
        %gather3A_47 = tpu.vector_load_idx %arg8[%mul3A_35] : memref<4096xf32, #tpu.memory_space<vmem>>[vector<16xi32>], vector<16xf32>,
        %add3A_48 = arith.constant 1 : i32
        %add3A_49 = vector.broadcast %add3A_48 : i32 to vector<16xi32>
        %add3A_50 = arith.addi %mul3A_35, %add3A_49 : vector<16xi32>
        %gather3A_51 = tpu.vector_load_idx %arg8[%add3A_50] : memref<4096xf32, #tpu.memory_space<vmem>>[vector<16xi32>], vector<16xf32>,
        %select_n3A = arith.select %gt3A, %gather3A_47, %gather3A : vector<16xi1>, vector<16xf32>
        %select_n3A_52 = arith.select %gt3A, %gather3A_51, %gather3A_46 : vector<16xi1>, vector<16xf32>
        %max3A = arith.maximumf %select_n3A, %select_n3A_52 : vector<16xf32>
        %sub3A = arith.subf %select_n3A, %max3A : vector<16xf32>
        %exp3A = math.exp %sub3A : vector<16xf32>
        %sub3A_53 = arith.subf %select_n3A_52, %max3A : vector<16xf32>
        %exp3A_54 = math.exp %sub3A_53 : vector<16xf32>
        %add3A_55 = arith.addf %exp3A, %exp3A_54 : vector<16xf32>
        %div3A = arith.divf %exp3A, %add3A_55 : vector<16xf32>
        tpu.vector_store_idx %arg9[%mul3A_35], %div3A : memref<4096xf32, #tpu.memory_space<vmem>>[vector<16xi32>], vector<16xf32>,
        %add3A_56 = arith.constant 1 : i32
        %add3A_57 = vector.broadcast %add3A_56 : i32 to vector<16xi32>
        %add3A_58 = arith.addi %mul3A_35, %add3A_57 : vector<16xi32>
        %div3A_59 = arith.divf %exp3A_54, %add3A_55 : vector<16xf32>
        tpu.vector_store_idx %arg9[%add3A_58], %div3A_59 : memref<4096xf32, #tpu.memory_space<vmem>>[vector<16xi32>], vector<16xf32>,
      }
      %scan3A_25 = arith.constant 128 : i32
      %mul3A_26 = arith.constant 2 : i32
      %mul3A_27 = arith.muli %mul3A_26, %add3A_11 : i32
      "tpu.region"() ({
        %run_scoped3A = tpu.sem_alloc : memref<!tpu.dma_semaphore, #tpu.memory_space<semaphore_mem>>
        %dma_start3A = tpu.memref_slice %arg4[%mul3A_27] : memref<2097152xf32, #tpu.memory_space<hbm>> -> memref<4096xf32, #tpu.memory_space<hbm>>
        %dma_start3A_28 = tpu.memref_slice %arg4[%mul3A_27] : memref<2097152xf32, #tpu.memory_space<hbm>> -> memref<4096xf32, #tpu.memory_space<hbm>>
        tpu.enqueue_dma source(%arg9 : memref<4096xf32, #tpu.memory_space<vmem>>) target(%dma_start3A_28 : memref<4096xf32, #tpu.memory_space<hbm>>) target_semaphore(%run_scoped3A : memref<!tpu.dma_semaphore, #tpu.memory_space<semaphore_mem>>)
        %dma_wait3A = tpu.memref_slice %arg4[%mul3A_27] : memref<2097152xf32, #tpu.memory_space<hbm>> -> memref<4096xf32, #tpu.memory_space<hbm>>
        %dma_wait3A_29 = tpu.memref_slice %arg4[%mul3A_27] : memref<2097152xf32, #tpu.memory_space<hbm>> -> memref<4096xf32, #tpu.memory_space<hbm>>
        tpu.wait_dma2 semaphore(%run_scoped3A : memref<!tpu.dma_semaphore, #tpu.memory_space<semaphore_mem>>) src(%arg9 : memref<4096xf32, #tpu.memory_space<vmem>>) dst(%dma_wait3A_29 : memref<4096xf32, #tpu.memory_space<hbm>>)
        tpu.yield
      }) : () -> ()
    }
    %scan3A_5 = arith.constant 16 : i32
    return
  }
}

#map = affine_map<(d0, d1) -> (0)>
#map1 = affine_map<(d0, d1) -> (0, 0)>
#map2 = affine_map<(d0, d1) -> (0, 0, 0, 0)>
module attributes {stable_mosaic.version = 14 : i64} {
  func.func @phase_bc(%arg0: i32, %arg1: i32, %arg2: memref<2097152xi32, #tpu.memory_space<hbm>>, %arg3: memref<2097152xi32, #tpu.memory_space<hbm>>, %arg4: memref<2097152xi32, #tpu.memory_space<hbm>>, %arg5: memref<4194304xf32, #tpu.memory_space<hbm>>, %arg6: memref<32x528xi32, #tpu.memory_space<hbm>>, %arg7: memref<32x2x2x16xi32, #tpu.memory_space<hbm>>, %arg8: memref<2097152xi32, #tpu.memory_space<hbm>>, %arg9: memref<4194304xf32, #tpu.memory_space<hbm>>, %arg10: memref<2098704x16xi32, #tpu.memory_space<hbm>>, %arg11: memref<528xi32, #tpu.memory_space<vmem>>, %arg12: memref<1024xi32, #tpu.memory_space<vmem>>, %arg13: memref<1024xi32, #tpu.memory_space<vmem>>, %arg14: memref<1024xi32, #tpu.memory_space<vmem>>, %arg15: memref<2048xf32, #tpu.memory_space<vmem>>, %arg16: memref<1024x16xi32, #tpu.memory_space<vmem>>, %arg17: memref<8x128xi32, #tpu.memory_space<vmem>>, %arg18: memref<32768xi32, #tpu.memory_space<vmem>>, %arg19: memref<65536xf32, #tpu.memory_space<vmem>>, %arg20: memref<512x16xi32, #tpu.memory_space<vmem>>, %arg21: memref<2x2x16xi32, #tpu.memory_space<vmem>>, %arg22: memref<!tpu.dma_semaphore, #tpu.memory_space<semaphore_mem>>) attributes {dimension_semantics = [#tpu.dimension_semantics<core_parallel>, #tpu.dimension_semantics<subcore_parallel>], iteration_bounds = array<i64: 2, 16>, scalar_prefetch = 0 : i64, scratch_operands = 13 : i64, tpu.core_type = #tpu.core_type<sc_vector_subcore>, window_params = [{transform_indices = #map}, {transform_indices = #map}, {transform_indices = #map}, {transform_indices = #map}, {transform_indices = #map1}, {transform_indices = #map2}, {transform_indices = #map}, {transform_indices = #map}]} {
    %mul3A = arith.constant 16 : i32
    %mul3A_0 = arith.muli %arg0, %mul3A : i32
    %add3A = arith.addi %mul3A_0, %arg1 : i32
    %iota3A = tpu.iota {dimensions = array<i32: 0>} : vector<16xi32>
    %broadcast_in_dim3A = arith.constant 0.000000e+00 : f32
    %broadcast_in_dim3A_1 = vector.broadcast %broadcast_in_dim3A : f32 to vector<16xf32>
    %broadcast_in_dim3A_2 = arith.constant 0 : i32
    %broadcast_in_dim3A_3 = vector.broadcast %broadcast_in_dim3A_2 : i32 to vector<16xi32>
    %sub3A = arith.constant 1 : i32
    %sub3A_4 = vector.broadcast %sub3A : i32 to vector<16xi32>
    %sub3A_5 = arith.subi %broadcast_in_dim3A_3, %sub3A_4 : vector<16xi32>
    %broadcast_in_dim3A_6 = arith.constant 0 : i32
    %broadcast_in_dim3A_7 = vector.broadcast %broadcast_in_dim3A_6 : i32 to vector<16xi32>
    %add3A_8 = arith.constant 1 : i32
    %add3A_9 = vector.broadcast %add3A_8 : i32 to vector<16xi32>
    %add3A_10 = arith.addi %broadcast_in_dim3A_7, %add3A_9 : vector<16xi32>
    %add3A_11 = arith.constant 2 : i32
    %add3A_12 = vector.broadcast %add3A_11 : i32 to vector<16xi32>
    %add3A_13 = arith.addi %broadcast_in_dim3A_7, %add3A_12 : vector<16xi32>
    %add3A_14 = arith.constant 3 : i32
    %add3A_15 = vector.broadcast %add3A_14 : i32 to vector<16xi32>
    %add3A_16 = arith.addi %broadcast_in_dim3A_7, %add3A_15 : vector<16xi32>
    "tpu.region"() ({
      %run_scoped3A = tpu.sem_alloc : memref<!tpu.dma_semaphore, #tpu.memory_space<semaphore_mem>>
      %dma_start3A = arith.constant 0 : i32
      %dma_start3A_225 = tpu.memref_slice %arg6[%add3A, %dma_start3A] : memref<32x528xi32, #tpu.memory_space<hbm>> -> memref<1x528xi32, #tpu.memory_space<hbm>>
      %dma_start3A_226 = tpu.memref_squeeze %dma_start3A_225 : memref<1x528xi32, #tpu.memory_space<hbm>> -> memref<528xi32, #tpu.memory_space<hbm>>
      %dma_start3A_227 = arith.constant 0 : i32
      %dma_start3A_228 = tpu.memref_slice %arg6[%add3A, %dma_start3A_227] : memref<32x528xi32, #tpu.memory_space<hbm>> -> memref<1x528xi32, #tpu.memory_space<hbm>>
      %dma_start3A_229 = tpu.memref_squeeze %dma_start3A_228 : memref<1x528xi32, #tpu.memory_space<hbm>> -> memref<528xi32, #tpu.memory_space<hbm>>
      tpu.enqueue_dma source(%dma_start3A_229 : memref<528xi32, #tpu.memory_space<hbm>>) target(%arg11 : memref<528xi32, #tpu.memory_space<vmem>>) target_semaphore(%run_scoped3A : memref<!tpu.dma_semaphore, #tpu.memory_space<semaphore_mem>>)
      %dma_wait3A = arith.constant 0 : i32
      %dma_wait3A_230 = tpu.memref_slice %arg6[%add3A, %dma_wait3A] : memref<32x528xi32, #tpu.memory_space<hbm>> -> memref<1x528xi32, #tpu.memory_space<hbm>>
      %dma_wait3A_231 = tpu.memref_squeeze %dma_wait3A_230 : memref<1x528xi32, #tpu.memory_space<hbm>> -> memref<528xi32, #tpu.memory_space<hbm>>
      %dma_wait3A_232 = arith.constant 0 : i32
      %dma_wait3A_233 = tpu.memref_slice %arg6[%add3A, %dma_wait3A_232] : memref<32x528xi32, #tpu.memory_space<hbm>> -> memref<1x528xi32, #tpu.memory_space<hbm>>
      %dma_wait3A_234 = tpu.memref_squeeze %dma_wait3A_233 : memref<1x528xi32, #tpu.memory_space<hbm>> -> memref<528xi32, #tpu.memory_space<hbm>>
      tpu.wait_dma2 semaphore(%run_scoped3A : memref<!tpu.dma_semaphore, #tpu.memory_space<semaphore_mem>>) src(%dma_wait3A_234 : memref<528xi32, #tpu.memory_space<hbm>>) dst(%arg11 : memref<528xi32, #tpu.memory_space<vmem>>)
      tpu.yield
    }) : () -> ()
    "tpu.region"() ({
      %run_scoped3A = tpu.sem_alloc : memref<!tpu.dma_semaphore, #tpu.memory_space<semaphore_mem>>
      %dma_start3A = arith.constant 0 : i32
      %dma_start3A_225 = arith.constant 0 : i32
      %dma_start3A_226 = arith.constant 0 : i32
      %dma_start3A_227 = tpu.memref_slice %arg7[%add3A, %dma_start3A, %dma_start3A_225, %dma_start3A_226] : memref<32x2x2x16xi32, #tpu.memory_space<hbm>> -> memref<1x2x2x16xi32, #tpu.memory_space<hbm>>
      %dma_start3A_228 = tpu.memref_squeeze %dma_start3A_227 : memref<1x2x2x16xi32, #tpu.memory_space<hbm>> -> memref<2x2x16xi32, #tpu.memory_space<hbm>>
      %dma_start3A_229 = arith.constant 0 : i32
      %dma_start3A_230 = arith.constant 0 : i32
      %dma_start3A_231 = arith.constant 0 : i32
      %dma_start3A_232 = tpu.memref_slice %arg7[%add3A, %dma_start3A_229, %dma_start3A_230, %dma_start3A_231] : memref<32x2x2x16xi32, #tpu.memory_space<hbm>> -> memref<1x2x2x16xi32, #tpu.memory_space<hbm>>
      %dma_start3A_233 = tpu.memref_squeeze %dma_start3A_232 : memref<1x2x2x16xi32, #tpu.memory_space<hbm>> -> memref<2x2x16xi32, #tpu.memory_space<hbm>>
      tpu.enqueue_dma source(%dma_start3A_233 : memref<2x2x16xi32, #tpu.memory_space<hbm>>) target(%arg21 : memref<2x2x16xi32, #tpu.memory_space<vmem>>) target_semaphore(%run_scoped3A : memref<!tpu.dma_semaphore, #tpu.memory_space<semaphore_mem>>)
      %dma_wait3A = arith.constant 0 : i32
      %dma_wait3A_234 = arith.constant 0 : i32
      %dma_wait3A_235 = arith.constant 0 : i32
      %dma_wait3A_236 = tpu.memref_slice %arg7[%add3A, %dma_wait3A, %dma_wait3A_234, %dma_wait3A_235] : memref<32x2x2x16xi32, #tpu.memory_space<hbm>> -> memref<1x2x2x16xi32, #tpu.memory_space<hbm>>
      %dma_wait3A_237 = tpu.memref_squeeze %dma_wait3A_236 : memref<1x2x2x16xi32, #tpu.memory_space<hbm>> -> memref<2x2x16xi32, #tpu.memory_space<hbm>>
      %dma_wait3A_238 = arith.constant 0 : i32
      %dma_wait3A_239 = arith.constant 0 : i32
      %dma_wait3A_240 = arith.constant 0 : i32
      %dma_wait3A_241 = tpu.memref_slice %arg7[%add3A, %dma_wait3A_238, %dma_wait3A_239, %dma_wait3A_240] : memref<32x2x2x16xi32, #tpu.memory_space<hbm>> -> memref<1x2x2x16xi32, #tpu.memory_space<hbm>>
      %dma_wait3A_242 = tpu.memref_squeeze %dma_wait3A_241 : memref<1x2x2x16xi32, #tpu.memory_space<hbm>> -> memref<2x2x16xi32, #tpu.memory_space<hbm>>
      tpu.wait_dma2 semaphore(%run_scoped3A : memref<!tpu.dma_semaphore, #tpu.memory_space<semaphore_mem>>) src(%dma_wait3A_242 : memref<2x2x16xi32, #tpu.memory_space<hbm>>) dst(%arg21 : memref<2x2x16xi32, #tpu.memory_space<vmem>>)
      tpu.yield
    }) : () -> ()
    %scan3A = arith.constant 0 : i32
    %scan3A_17 = arith.constant 0 : i32
    %scan3A_18 = arith.constant 64 : i32
    %scan3A_19 = arith.addi %scan3A_17, %scan3A_18 : i32
    %scan3A_20 = arith.constant 1 : i32
    scf.for %scan3A_225 = %scan3A_17 to %scan3A_19 step %scan3A_20  : i32 {
      %mul3A_226 = arith.constant 65536 : i32
      %mul3A_227 = arith.muli %add3A, %mul3A_226 : i32
      %mul3A_228 = arith.constant 1024 : i32
      %mul3A_229 = arith.muli %scan3A_225, %mul3A_228 : i32
      %add3A_230 = arith.addi %mul3A_227, %mul3A_229 : i32
      "tpu.region"() ({
        %run_scoped3A = tpu.sem_alloc : memref<!tpu.dma_semaphore, #tpu.memory_space<semaphore_mem>>
        %dma_start3A = tpu.memref_slice %arg2[%add3A_230] : memref<2097152xi32, #tpu.memory_space<hbm>> -> memref<1024xi32, #tpu.memory_space<hbm>>
        %dma_start3A_244 = tpu.memref_slice %arg2[%add3A_230] : memref<2097152xi32, #tpu.memory_space<hbm>> -> memref<1024xi32, #tpu.memory_space<hbm>>
        tpu.enqueue_dma source(%dma_start3A_244 : memref<1024xi32, #tpu.memory_space<hbm>>) target(%arg12 : memref<1024xi32, #tpu.memory_space<vmem>>) target_semaphore(%run_scoped3A : memref<!tpu.dma_semaphore, #tpu.memory_space<semaphore_mem>>)
        %dma_wait3A = tpu.memref_slice %arg2[%add3A_230] : memref<2097152xi32, #tpu.memory_space<hbm>> -> memref<1024xi32, #tpu.memory_space<hbm>>
        %dma_wait3A_245 = tpu.memref_slice %arg2[%add3A_230] : memref<2097152xi32, #tpu.memory_space<hbm>> -> memref<1024xi32, #tpu.memory_space<hbm>>
        tpu.wait_dma2 semaphore(%run_scoped3A : memref<!tpu.dma_semaphore, #tpu.memory_space<semaphore_mem>>) src(%dma_wait3A_245 : memref<1024xi32, #tpu.memory_space<hbm>>) dst(%arg12 : memref<1024xi32, #tpu.memory_space<vmem>>)
        tpu.yield
      }) : () -> ()
      "tpu.region"() ({
        %run_scoped3A = tpu.sem_alloc : memref<!tpu.dma_semaphore, #tpu.memory_space<semaphore_mem>>
        %dma_start3A = tpu.memref_slice %arg3[%add3A_230] : memref<2097152xi32, #tpu.memory_space<hbm>> -> memref<1024xi32, #tpu.memory_space<hbm>>
        %dma_start3A_244 = tpu.memref_slice %arg3[%add3A_230] : memref<2097152xi32, #tpu.memory_space<hbm>> -> memref<1024xi32, #tpu.memory_space<hbm>>
        tpu.enqueue_dma source(%dma_start3A_244 : memref<1024xi32, #tpu.memory_space<hbm>>) target(%arg13 : memref<1024xi32, #tpu.memory_space<vmem>>) target_semaphore(%run_scoped3A : memref<!tpu.dma_semaphore, #tpu.memory_space<semaphore_mem>>)
        %dma_wait3A = tpu.memref_slice %arg3[%add3A_230] : memref<2097152xi32, #tpu.memory_space<hbm>> -> memref<1024xi32, #tpu.memory_space<hbm>>
        %dma_wait3A_245 = tpu.memref_slice %arg3[%add3A_230] : memref<2097152xi32, #tpu.memory_space<hbm>> -> memref<1024xi32, #tpu.memory_space<hbm>>
        tpu.wait_dma2 semaphore(%run_scoped3A : memref<!tpu.dma_semaphore, #tpu.memory_space<semaphore_mem>>) src(%dma_wait3A_245 : memref<1024xi32, #tpu.memory_space<hbm>>) dst(%arg13 : memref<1024xi32, #tpu.memory_space<vmem>>)
        tpu.yield
      }) : () -> ()
      "tpu.region"() ({
        %run_scoped3A = tpu.sem_alloc : memref<!tpu.dma_semaphore, #tpu.memory_space<semaphore_mem>>
        %dma_start3A = tpu.memref_slice %arg4[%add3A_230] : memref<2097152xi32, #tpu.memory_space<hbm>> -> memref<1024xi32, #tpu.memory_space<hbm>>
        %dma_start3A_244 = tpu.memref_slice %arg4[%add3A_230] : memref<2097152xi32, #tpu.memory_space<hbm>> -> memref<1024xi32, #tpu.memory_space<hbm>>
        tpu.enqueue_dma source(%dma_start3A_244 : memref<1024xi32, #tpu.memory_space<hbm>>) target(%arg14 : memref<1024xi32, #tpu.memory_space<vmem>>) target_semaphore(%run_scoped3A : memref<!tpu.dma_semaphore, #tpu.memory_space<semaphore_mem>>)
        %dma_wait3A = tpu.memref_slice %arg4[%add3A_230] : memref<2097152xi32, #tpu.memory_space<hbm>> -> memref<1024xi32, #tpu.memory_space<hbm>>
        %dma_wait3A_245 = tpu.memref_slice %arg4[%add3A_230] : memref<2097152xi32, #tpu.memory_space<hbm>> -> memref<1024xi32, #tpu.memory_space<hbm>>
        tpu.wait_dma2 semaphore(%run_scoped3A : memref<!tpu.dma_semaphore, #tpu.memory_space<semaphore_mem>>) src(%dma_wait3A_245 : memref<1024xi32, #tpu.memory_space<hbm>>) dst(%arg14 : memref<1024xi32, #tpu.memory_space<vmem>>)
        tpu.yield
      }) : () -> ()
      %mul3A_231 = arith.constant 2 : i32
      %mul3A_232 = arith.muli %mul3A_231, %add3A_230 : i32
      "tpu.region"() ({
        %run_scoped3A = tpu.sem_alloc : memref<!tpu.dma_semaphore, #tpu.memory_space<semaphore_mem>>
        %dma_start3A = tpu.memref_slice %arg5[%mul3A_232] : memref<4194304xf32, #tpu.memory_space<hbm>> -> memref<2048xf32, #tpu.memory_space<hbm>>
        %dma_start3A_244 = tpu.memref_slice %arg5[%mul3A_232] : memref<4194304xf32, #tpu.memory_space<hbm>> -> memref<2048xf32, #tpu.memory_space<hbm>>
        tpu.enqueue_dma source(%dma_start3A_244 : memref<2048xf32, #tpu.memory_space<hbm>>) target(%arg15 : memref<2048xf32, #tpu.memory_space<vmem>>) target_semaphore(%run_scoped3A : memref<!tpu.dma_semaphore, #tpu.memory_space<semaphore_mem>>)
        %dma_wait3A = tpu.memref_slice %arg5[%mul3A_232] : memref<4194304xf32, #tpu.memory_space<hbm>> -> memref<2048xf32, #tpu.memory_space<hbm>>
        %dma_wait3A_245 = tpu.memref_slice %arg5[%mul3A_232] : memref<4194304xf32, #tpu.memory_space<hbm>> -> memref<2048xf32, #tpu.memory_space<hbm>>
        tpu.wait_dma2 semaphore(%run_scoped3A : memref<!tpu.dma_semaphore, #tpu.memory_space<semaphore_mem>>) src(%dma_wait3A_245 : memref<2048xf32, #tpu.memory_space<hbm>>) dst(%arg15 : memref<2048xf32, #tpu.memory_space<vmem>>)
        tpu.yield
      }) : () -> ()
      %scan3A_233 = arith.constant 0 : i32
      %scan3A_234 = arith.constant 0 : i32
      %scan3A_235 = arith.constant 64 : i32
      %scan3A_236 = arith.addi %scan3A_234, %scan3A_235 : i32
      %scan3A_237 = arith.constant 1 : i32
      scf.for %scan3A_244 = %scan3A_234 to %scan3A_236 step %scan3A_237  : i32 {
        %mul3A_245 = arith.constant 16 : i32
        %mul3A_246 = arith.muli %scan3A_244, %mul3A_245 : i32
        %add3A_247 = vector.broadcast %mul3A_246 : i32 to vector<16xi32>
        %add3A_248 = arith.addi %add3A_247, %iota3A : vector<16xi32>
        %get3A_249 = arith.index_cast %mul3A_246 : i32 to index
        %get3A_250 = tpu.vector_load %arg12[%get3A_249] {strides = array<i32>} : memref<1024xi32, #tpu.memory_space<vmem>>, vector<16xi32>,
        %get3A_251 = arith.index_cast %mul3A_246 : i32 to index
        %get3A_252 = tpu.vector_load %arg13[%get3A_251] {strides = array<i32>} : memref<1024xi32, #tpu.memory_space<vmem>>, vector<16xi32>,
        %get3A_253 = arith.index_cast %mul3A_246 : i32 to index
        %get3A_254 = tpu.vector_load %arg14[%get3A_253] {strides = array<i32>} : memref<1024xi32, #tpu.memory_space<vmem>>, vector<16xi32>,
        %mul3A_255 = arith.constant 512 : i32
        %mul3A_256 = vector.broadcast %mul3A_255 : i32 to vector<16xi32>
        %mul3A_257 = arith.muli %get3A_250, %mul3A_256 : vector<16xi32>
        %add3A_258 = arith.addi %mul3A_257, %get3A_252 : vector<16xi32>
        %mul3A_259 = arith.constant 512 : i32
        %mul3A_260 = vector.broadcast %mul3A_259 : i32 to vector<16xi32>
        %mul3A_261 = arith.muli %add3A_258, %mul3A_260 : vector<16xi32>
        %add3A_262 = arith.addi %mul3A_261, %get3A_254 : vector<16xi32>
        %shift_right_arithmetic3A = arith.constant 15 : i32
        %shift_right_arithmetic3A_263 = vector.broadcast %shift_right_arithmetic3A : i32 to vector<16xi32>
        %shift_right_arithmetic3A_264 = arith.shrsi %add3A_262, %shift_right_arithmetic3A_263 : vector<16xi32>
        %mul3A_265 = arith.constant 33 : i32
        %mul3A_266 = vector.broadcast %mul3A_265 : i32 to vector<16xi32>
        %mul3A_267 = arith.muli %iota3A, %mul3A_266 : vector<16xi32>
        %add3A_268 = arith.addi %mul3A_267, %shift_right_arithmetic3A_264 : vector<16xi32>
        %gather3A = tpu.vector_load_idx %arg11[%add3A_268] : memref<528xi32, #tpu.memory_space<vmem>>[vector<16xi32>], vector<16xi32>,
        %add3A_269 = arith.constant 1 : i32
        %add3A_270 = vector.broadcast %add3A_269 : i32 to vector<16xi32>
        %add3A_271 = arith.addi %gather3A, %add3A_270 : vector<16xi32>
        tpu.vector_store_idx %arg11[%add3A_268], %add3A_271 : memref<528xi32, #tpu.memory_space<vmem>>[vector<16xi32>], vector<16xi32>,
        %mul3A_272 = arith.constant 2 : i32
        %mul3A_273 = vector.broadcast %mul3A_272 : i32 to vector<16xi32>
        %mul3A_274 = arith.muli %mul3A_273, %add3A_248 : vector<16xi32>
        %gather3A_275 = tpu.vector_load_idx %arg15[%mul3A_274] : memref<2048xf32, #tpu.memory_space<vmem>>[vector<16xi32>], vector<16xf32>,
        %bitcast3A = vector.bitcast %gather3A_275 : vector<16xf32> to vector<16xi32>
        %add3A_276 = arith.constant 1 : i32
        %add3A_277 = vector.broadcast %add3A_276 : i32 to vector<16xi32>
        %add3A_278 = arith.addi %mul3A_274, %add3A_277 : vector<16xi32>
        %gather3A_279 = tpu.vector_load_idx %arg15[%add3A_278] : memref<2048xf32, #tpu.memory_space<vmem>>[vector<16xi32>], vector<16xf32>,
        %bitcast3A_280 = vector.bitcast %gather3A_279 : vector<16xf32> to vector<16xi32>
        %and3A_281 = arith.constant 32767 : i32
        %and3A_282 = vector.broadcast %and3A_281 : i32 to vector<16xi32>
        %and3A_283 = arith.andi %add3A_262, %and3A_282 : vector<16xi32>
        tpu.vector_store_idx %arg16[%add3A_248, %broadcast_in_dim3A_7], %and3A_283 : memref<1024x16xi32, #tpu.memory_space<vmem>>[vector<16xi32>, vector<16xi32>], vector<16xi32>,
        %add3A_284 = vector.broadcast %add3A_230 : i32 to vector<16xi32>
        %add3A_285 = arith.addi %add3A_284, %add3A_248 : vector<16xi32>
        tpu.vector_store_idx %arg16[%add3A_248, %add3A_10], %add3A_285 : memref<1024x16xi32, #tpu.memory_space<vmem>>[vector<16xi32>, vector<16xi32>], vector<16xi32>,
        tpu.vector_store_idx %arg16[%add3A_248, %add3A_13], %bitcast3A : memref<1024x16xi32, #tpu.memory_space<vmem>>[vector<16xi32>, vector<16xi32>], vector<16xi32>,
        tpu.vector_store_idx %arg16[%add3A_248, %add3A_16], %bitcast3A_280 : memref<1024x16xi32, #tpu.memory_space<vmem>>[vector<16xi32>, vector<16xi32>], vector<16xi32>,
        %jit3A_286 = arith.constant 8 : i32
        %div3A_287 = arith.divsi %scan3A_244, %jit3A_286 : i32
        %sign3A_288 = arith.constant 0 : i32
        %sign3A_289 = arith.cmpi sgt, %scan3A_244, %sign3A_288 : i32
        %sign3A_290 = arith.extui %sign3A_289 : i1 to i32
        %sign3A_291 = arith.constant 0 : i32
        %sign3A_292 = arith.cmpi slt, %scan3A_244, %sign3A_291 : i32
        %sign3A_293 = arith.extui %sign3A_292 : i1 to i32
        %sign3A_294 = arith.subi %sign3A_290, %sign3A_293 : i32
        %sign3A_295 = arith.constant 0 : i32
        %sign3A_296 = arith.cmpi sgt, %jit3A_286, %sign3A_295 : i32
        %sign3A_297 = arith.extui %sign3A_296 : i1 to i32
        %sign3A_298 = arith.constant 0 : i32
        %sign3A_299 = arith.cmpi slt, %jit3A_286, %sign3A_298 : i32
        %sign3A_300 = arith.extui %sign3A_299 : i1 to i32
        %sign3A_301 = arith.subi %sign3A_297, %sign3A_300 : i32
        %ne3A_302 = arith.cmpi ne, %sign3A_294, %sign3A_301 : i32
        %rem3A_303 = arith.remsi %scan3A_244, %jit3A_286 : i32
        %ne3A_304 = arith.constant 0 : i32
        %ne3A_305 = arith.cmpi ne, %rem3A_303, %ne3A_304 : i32
        %and3A_306 = arith.andi %ne3A_302, %ne3A_305 : i1
        %sub3A_307 = arith.constant 1 : i32
        %sub3A_308 = arith.subi %div3A_287, %sub3A_307 : i32
        %select_n3A_309 = arith.select %and3A_306, %sub3A_308, %div3A_287 : i32
        %add3A_310 = vector.broadcast %select_n3A_309 : i32 to vector<16xi32>
        %add3A_311 = arith.addi %broadcast_in_dim3A_7, %add3A_310 : vector<16xi32>
        %jit3A_312 = arith.constant 8 : i32
        %eq3A = arith.constant 0 : i32
        %eq3A_313 = arith.cmpi eq, %jit3A_312, %eq3A : i32
        %jit3A_314 = arith.constant 1 : i32
        %select_n3A_315 = arith.select %eq3A_313, %jit3A_314, %jit3A_312 : i32
        %rem3A_316 = arith.remsi %scan3A_244, %select_n3A_315 : i32
        %ne3A_317 = arith.constant 0 : i32
        %ne3A_318 = arith.cmpi ne, %rem3A_316, %ne3A_317 : i32
        %lt3A = arith.constant 0 : i32
        %lt3A_319 = arith.cmpi slt, %rem3A_316, %lt3A : i32
        %lt3A_320 = arith.constant 0 : i32
        %lt3A_321 = arith.cmpi slt, %select_n3A_315, %lt3A_320 : i32
        %ne3A_322 = arith.xori %lt3A_319, %lt3A_321 : i1
        %and3A_323 = arith.andi %ne3A_322, %ne3A_318 : i1
        %add3A_324 = arith.addi %rem3A_316, %select_n3A_315 : i32
        %select_n3A_325 = arith.select %and3A_323, %add3A_324, %rem3A_316 : i32
        %mul3A_326 = arith.constant 16 : i32
        %mul3A_327 = arith.muli %select_n3A_325, %mul3A_326 : i32
        %add3A_328 = vector.broadcast %mul3A_327 : i32 to vector<16xi32>
        %add3A_329 = arith.addi %add3A_328, %iota3A : vector<16xi32>
        tpu.vector_store_idx %arg17[%add3A_311, %add3A_329], %gather3A : memref<8x128xi32, #tpu.memory_space<vmem>>[vector<16xi32>, vector<16xi32>], vector<16xi32>,
      }
      %scan3A_238 = arith.constant 64 : i32
      %scan3A_239 = arith.constant 0 : i32
      %scan3A_240 = arith.constant 8 : i32
      %scan3A_241 = arith.addi %scan3A_239, %scan3A_240 : i32
      %scan3A_242 = arith.constant 1 : i32
      scf.for %scan3A_244 = %scan3A_239 to %scan3A_241 step %scan3A_242  : i32 {
        %mul3A_245 = arith.constant 128 : i32
        %mul3A_246 = arith.muli %scan3A_244, %mul3A_245 : i32
        %dma_start3A = arith.constant 0 : i32
        %dma_start3A_247 = tpu.memref_slice %arg16[%mul3A_246, %dma_start3A] : memref<1024x16xi32, #tpu.memory_space<vmem>> -> memref<128x16xi32, #tpu.memory_space<vmem>>
        %dma_start3A_248 = arith.constant 0 : i32
        %dma_start3A_249 = tpu.memref_slice %arg17[%scan3A_244, %dma_start3A_248] : memref<8x128xi32, #tpu.memory_space<vmem>> -> memref<1x128xi32, #tpu.memory_space<vmem>>
        %dma_start3A_250 = tpu.memref_squeeze %dma_start3A_249 : memref<1x128xi32, #tpu.memory_space<vmem>> -> memref<128xi32, #tpu.memory_space<vmem>>
        %dma_start3A_251 = arith.constant 0 : i32
        %dma_start3A_252 = arith.constant 0 : i32
        %dma_start3A_253 = tpu.memref_slice %arg10[%dma_start3A_251, %dma_start3A_252] : memref<2098704x16xi32, #tpu.memory_space<hbm>> -> memref<2098704x16xi32, #tpu.memory_space<hbm>>
        tpu.enqueue_indirect_dma source(%dma_start3A_247 : memref<128x16xi32, #tpu.memory_space<vmem>>) target(%dma_start3A_253 : memref<2098704x16xi32, #tpu.memory_space<hbm>>) offsets(%dma_start3A_250 : memref<128xi32, #tpu.memory_space<vmem>>) semaphore(%arg22 : memref<!tpu.dma_semaphore, #tpu.memory_space<semaphore_mem>>)
        %dma_wait3A = arith.constant 0 : i32
        %dma_wait3A_254 = tpu.memref_slice %arg16[%mul3A_246, %dma_wait3A] : memref<1024x16xi32, #tpu.memory_space<vmem>> -> memref<128x16xi32, #tpu.memory_space<vmem>>
        %dma_wait3A_255 = arith.constant 0 : i32
        %dma_wait3A_256 = tpu.memref_slice %arg17[%scan3A_244, %dma_wait3A_255] : memref<8x128xi32, #tpu.memory_space<vmem>> -> memref<1x128xi32, #tpu.memory_space<vmem>>
        %dma_wait3A_257 = tpu.memref_squeeze %dma_wait3A_256 : memref<1x128xi32, #tpu.memory_space<vmem>> -> memref<128xi32, #tpu.memory_space<vmem>>
        %dma_wait3A_258 = arith.constant 0 : i32
        %dma_wait3A_259 = arith.constant 0 : i32
        %dma_wait3A_260 = tpu.memref_slice %arg10[%dma_wait3A_258, %dma_wait3A_259] : memref<2098704x16xi32, #tpu.memory_space<hbm>> -> memref<2098704x16xi32, #tpu.memory_space<hbm>>
        tpu.wait_indirect_dma semaphore(%arg22 : memref<!tpu.dma_semaphore, #tpu.memory_space<semaphore_mem>>) src(%dma_wait3A_254 : memref<128x16xi32, #tpu.memory_space<vmem>>) dst(%dma_wait3A_260 : memref<2098704x16xi32, #tpu.memory_space<hbm>>)
      }
      %scan3A_243 = arith.constant 8 : i32
    }
    %scan3A_21 = arith.constant 64 : i32
    %barrier3A = arith.constant 0 : index
    tpu.barrier barrier_id(%barrier3A)
    %mul3A_22 = arith.constant 2 : i32
    %mul3A_23 = arith.muli %mul3A_22, %arg1 : i32
    %add3A_24 = arith.constant 0 : i32
    %add3A_25 = arith.addi %mul3A_23, %add3A_24 : i32
    %get3A = arith.constant 0 : i32
    %get3A_26 = arith.constant 0 : i32
    %get3A_27 = arith.index_cast %get3A : i32 to index
    %get3A_28 = arith.index_cast %get3A_26 : i32 to index
    %get3A_29 = arith.constant 0 : index
    %get3A_30 = tpu.vector_load %arg21[%get3A_27, %get3A_28, %get3A_29] {strides = array<i32>} : memref<2x2x16xi32, #tpu.memory_space<vmem>>, vector<16xi32>,
    %reduce_max3A = arith.constant true
    %reduce_max3A_31 = vector.broadcast %reduce_max3A : i1 to vector<16xi1>
    %reduce_max3A_32 = arith.constant -2147483648 : i32
    %reduce_max3A_33 = vector.broadcast %reduce_max3A_32 : i32 to vector<16xi32>
    %reduce_max3A_34 = arith.xori %get3A_30, %reduce_max3A_33 : vector<16xi32>
    %reduce_max3A_35 = tpu.scan <max>, %reduce_max3A_34 masked %reduce_max3A_31 : vector<16xi32>, vector<16xi1> -> vector<16xi32>
    %reduce_max3A_36 = arith.xori %reduce_max3A_35, %reduce_max3A_33 : vector<16xi32>
    %reduce_max3A_37 = vector.extract %reduce_max3A_36[15] : i32 from vector<16xi32>
    %multiple_of3A = tpu.assume_multiple %reduce_max3A_37, 8 : i32
    %get3A_38 = arith.constant 0 : i32
    %get3A_39 = arith.constant 1 : i32
    %get3A_40 = arith.index_cast %get3A_38 : i32 to index
    %get3A_41 = arith.index_cast %get3A_39 : i32 to index
    %get3A_42 = arith.constant 0 : index
    %get3A_43 = tpu.vector_load %arg21[%get3A_40, %get3A_41, %get3A_42] {strides = array<i32>} : memref<2x2x16xi32, #tpu.memory_space<vmem>>, vector<16xi32>,
    %reduce_max3A_44 = arith.constant true
    %reduce_max3A_45 = vector.broadcast %reduce_max3A_44 : i1 to vector<16xi1>
    %reduce_max3A_46 = arith.constant -2147483648 : i32
    %reduce_max3A_47 = vector.broadcast %reduce_max3A_46 : i32 to vector<16xi32>
    %reduce_max3A_48 = arith.xori %get3A_43, %reduce_max3A_47 : vector<16xi32>
    %reduce_max3A_49 = tpu.scan <max>, %reduce_max3A_48 masked %reduce_max3A_45 : vector<16xi32>, vector<16xi1> -> vector<16xi32>
    %reduce_max3A_50 = arith.xori %reduce_max3A_49, %reduce_max3A_47 : vector<16xi32>
    %reduce_max3A_51 = vector.extract %reduce_max3A_50[15] : i32 from vector<16xi32>
    %scan3A_52 = arith.constant 0 : i32
    %scan3A_53 = arith.constant 0 : i32
    %scan3A_54 = arith.constant 2048 : i32
    %scan3A_55 = arith.addi %scan3A_53, %scan3A_54 : i32
    %scan3A_56 = arith.constant 1 : i32
    scf.for %scan3A_225 = %scan3A_53 to %scan3A_55 step %scan3A_56  : i32 {
      %mul3A_226 = arith.constant 16 : i32
      %mul3A_227 = arith.muli %scan3A_225, %mul3A_226 : i32
      %swap3A = arith.index_cast %mul3A_227 : i32 to index
      %swap3A_228 = tpu.vector_load %arg18[%swap3A] {strides = array<i32>} : memref<32768xi32, #tpu.memory_space<vmem>>, vector<16xi32>,
      tpu.vector_store %arg18[%swap3A], %sub3A_5 {strides = array<i32>} : memref<32768xi32, #tpu.memory_space<vmem>>, vector<16xi32>,
    }
    %scan3A_57 = arith.constant 2048 : i32
    %scan3A_58 = arith.constant 0 : i32
    %scan3A_59 = arith.constant 0 : i32
    %scan3A_60 = arith.constant 4096 : i32
    %scan3A_61 = arith.addi %scan3A_59, %scan3A_60 : i32
    %scan3A_62 = arith.constant 1 : i32
    scf.for %scan3A_225 = %scan3A_59 to %scan3A_61 step %scan3A_62  : i32 {
      %mul3A_226 = arith.constant 16 : i32
      %mul3A_227 = arith.muli %scan3A_225, %mul3A_226 : i32
      %swap3A = arith.index_cast %mul3A_227 : i32 to index
      %swap3A_228 = tpu.vector_load %arg19[%swap3A] {strides = array<i32>} : memref<65536xf32, #tpu.memory_space<vmem>>, vector<16xf32>,
      tpu.vector_store %arg19[%swap3A], %broadcast_in_dim3A_1 {strides = array<i32>} : memref<65536xf32, #tpu.memory_space<vmem>>, vector<16xf32>,
    }
    %scan3A_63 = arith.constant 4096 : i32
    %add3A_64 = arith.constant 512 : i32
    %add3A_65 = arith.addi %reduce_max3A_51, %add3A_64 : i32
    %sub3A_66 = arith.constant 1 : i32
    %sub3A_67 = arith.subi %add3A_65, %sub3A_66 : i32
    %jit3A = arith.constant 512 : i32
    %div3A = arith.divsi %sub3A_67, %jit3A : i32
    %sign3A = arith.constant 0 : i32
    %sign3A_68 = arith.cmpi sgt, %sub3A_67, %sign3A : i32
    %sign3A_69 = arith.extui %sign3A_68 : i1 to i32
    %sign3A_70 = arith.constant 0 : i32
    %sign3A_71 = arith.cmpi slt, %sub3A_67, %sign3A_70 : i32
    %sign3A_72 = arith.extui %sign3A_71 : i1 to i32
    %sign3A_73 = arith.subi %sign3A_69, %sign3A_72 : i32
    %sign3A_74 = arith.constant 0 : i32
    %sign3A_75 = arith.cmpi sgt, %jit3A, %sign3A_74 : i32
    %sign3A_76 = arith.extui %sign3A_75 : i1 to i32
    %sign3A_77 = arith.constant 0 : i32
    %sign3A_78 = arith.cmpi slt, %jit3A, %sign3A_77 : i32
    %sign3A_79 = arith.extui %sign3A_78 : i1 to i32
    %sign3A_80 = arith.subi %sign3A_76, %sign3A_79 : i32
    %ne3A = arith.cmpi ne, %sign3A_73, %sign3A_80 : i32
    %rem3A = arith.remsi %sub3A_67, %jit3A : i32
    %ne3A_81 = arith.constant 0 : i32
    %ne3A_82 = arith.cmpi ne, %rem3A, %ne3A_81 : i32
    %and3A = arith.andi %ne3A, %ne3A_82 : i1
    %sub3A_83 = arith.constant 1 : i32
    %sub3A_84 = arith.subi %div3A, %sub3A_83 : i32
    %select_n3A = arith.select %and3A, %sub3A_84, %div3A : i32
    %while3A = arith.constant 0 : i32
    %while3A_85 = arith.constant 0 : i32
    %while3A_86 = arith.subi %select_n3A, %while3A_85 : i32
    %while3A_87 = arith.addi %while3A_85, %while3A_86 : i32
    %while3A_88 = arith.constant 1 : i32
    %while3A_89 = arith.divsi %while3A_86, %while3A_88 : i32
    %while3A_90 = arith.muli %while3A_89, %while3A_88 : i32
    %while3A_91 = arith.addi %while3A_85, %while3A_90 : i32
    %while3A_92 = arith.constant 1 : i32
    scf.for %while3A_225 = %while3A_85 to %while3A_91 step %while3A_92  : i32 {
      %mul3A_226 = arith.constant 512 : i32
      %mul3A_227 = arith.muli %while3A_225, %mul3A_226 : i32
      %add3A_228 = arith.addi %multiple_of3A, %mul3A_227 : i32
      "tpu.region"() ({
        %run_scoped3A = tpu.sem_alloc : memref<!tpu.dma_semaphore, #tpu.memory_space<semaphore_mem>>
        %dma_start3A = arith.constant 0 : i32
        %dma_start3A_234 = tpu.memref_slice %arg10[%add3A_228, %dma_start3A] : memref<2098704x16xi32, #tpu.memory_space<hbm>> -> memref<512x16xi32, #tpu.memory_space<hbm>>
        %dma_start3A_235 = arith.constant 0 : i32
        %dma_start3A_236 = tpu.memref_slice %arg10[%add3A_228, %dma_start3A_235] : memref<2098704x16xi32, #tpu.memory_space<hbm>> -> memref<512x16xi32, #tpu.memory_space<hbm>>
        tpu.enqueue_dma source(%dma_start3A_236 : memref<512x16xi32, #tpu.memory_space<hbm>>) target(%arg20 : memref<512x16xi32, #tpu.memory_space<vmem>>) target_semaphore(%run_scoped3A : memref<!tpu.dma_semaphore, #tpu.memory_space<semaphore_mem>>)
        %dma_wait3A = arith.constant 0 : i32
        %dma_wait3A_237 = tpu.memref_slice %arg10[%add3A_228, %dma_wait3A] : memref<2098704x16xi32, #tpu.memory_space<hbm>> -> memref<512x16xi32, #tpu.memory_space<hbm>>
        %dma_wait3A_238 = arith.constant 0 : i32
        %dma_wait3A_239 = tpu.memref_slice %arg10[%add3A_228, %dma_wait3A_238] : memref<2098704x16xi32, #tpu.memory_space<hbm>> -> memref<512x16xi32, #tpu.memory_space<hbm>>
        tpu.wait_dma2 semaphore(%run_scoped3A : memref<!tpu.dma_semaphore, #tpu.memory_space<semaphore_mem>>) src(%dma_wait3A_239 : memref<512x16xi32, #tpu.memory_space<hbm>>) dst(%arg20 : memref<512x16xi32, #tpu.memory_space<vmem>>)
        tpu.yield
      }) : () -> ()
      %scan3A_229 = arith.constant 0 : i32
      %scan3A_230 = arith.constant 32 : i32
      %scan3A_231 = arith.addi %scan3A_229, %scan3A_230 : i32
      %scan3A_232 = arith.constant 1 : i32
      scf.for %scan3A_234 = %scan3A_229 to %scan3A_231 step %scan3A_232  : i32 {
        %mul3A_235 = arith.constant 16 : i32
        %mul3A_236 = arith.muli %scan3A_234, %mul3A_235 : i32
        %add3A_237 = vector.broadcast %mul3A_236 : i32 to vector<16xi32>
        %add3A_238 = arith.addi %add3A_237, %iota3A : vector<16xi32>
        %mul3A_239 = arith.constant 512 : i32
        %mul3A_240 = arith.muli %while3A_225, %mul3A_239 : i32
        %add3A_241 = vector.broadcast %mul3A_240 : i32 to vector<16xi32>
        %add3A_242 = arith.addi %add3A_241, %add3A_238 : vector<16xi32>
        %lt3A = vector.broadcast %reduce_max3A_51 : i32 to vector<16xi32>
        %lt3A_243 = arith.cmpi slt, %add3A_242, %lt3A : vector<16xi32>
        %gather3A = tpu.vector_load_idx %arg20[%add3A_238, %broadcast_in_dim3A_7] : memref<512x16xi32, #tpu.memory_space<vmem>>[vector<16xi32>, vector<16xi32>], vector<16xi32>,
        %and3A_244 = arith.constant 32767 : i32
        %and3A_245 = vector.broadcast %and3A_244 : i32 to vector<16xi32>
        %and3A_246 = arith.andi %gather3A, %and3A_245 : vector<16xi32>
        %gather3A_247 = tpu.vector_load_idx %arg20[%add3A_238, %add3A_10] : memref<512x16xi32, #tpu.memory_space<vmem>>[vector<16xi32>, vector<16xi32>], vector<16xi32>,
        %jit3A_248 = arith.constant -1 : i32
        %broadcast_in_dim3A_249 = vector.broadcast %jit3A_248 : i32 to vector<16xi32>
        %select_n3A_250 = arith.select %lt3A_243, %gather3A_247, %broadcast_in_dim3A_249 : vector<16xi1>, vector<16xi32>
        %gather3A_251 = tpu.vector_load_idx %arg18[%and3A_246] : memref<32768xi32, #tpu.memory_space<vmem>>[vector<16xi32>], vector<16xi32>,
        %while3A_252 = scf.while (%while3A_253 = %gather3A_251) : (vector<16xi32>) -> vector<16xi32> {
          %gt3A = arith.cmpi sgt, %select_n3A_250, %while3A_253 : vector<16xi32>
          %reduce_or3A = arith.constant 1.000000e+00 : f32
          %reduce_or3A_254 = arith.constant 0.000000e+00 : f32
          %reduce_or3A_255 = vector.broadcast %reduce_or3A : f32 to vector<16xf32>
          %reduce_or3A_256 = vector.broadcast %reduce_or3A_254 : f32 to vector<16xf32>
          %reduce_or3A_257 = arith.select %gt3A, %reduce_or3A_255, %reduce_or3A_256 : vector<16xi1>, vector<16xf32>
          %reduce_or3A_258 = arith.constant true
          %reduce_or3A_259 = vector.broadcast %reduce_or3A_258 : i1 to vector<16xi1>
          %reduce_or3A_260 = tpu.scan <max>, %reduce_or3A_257 masked %reduce_or3A_259 : vector<16xf32>, vector<16xi1> -> vector<16xf32>
          %reduce_or3A_261 = vector.extract %reduce_or3A_260[15] : f32 from vector<16xf32>
          %reduce_or3A_262 = arith.constant 0.000000e+00 : f32
          %reduce_or3A_263 = arith.cmpf ogt, %reduce_or3A_261, %reduce_or3A_262 : f32
          scf.condition(%reduce_or3A_263) %while3A_253 : vector<16xi32>
        } do {
        ^bb0(%while3A_253: vector<16xi32>):
          %gt3A = arith.cmpi sgt, %select_n3A_250, %while3A_253 : vector<16xi32>
          tpu.vector_store_idx %arg18[%and3A_246], %select_n3A_250 masked %gt3A : memref<32768xi32, #tpu.memory_space<vmem>>[vector<16xi32>], vector<16xi32>, vector<16xi1>
          %gather3A_254 = tpu.vector_load_idx %arg18[%and3A_246] : memref<32768xi32, #tpu.memory_space<vmem>>[vector<16xi32>], vector<16xi32>,
          scf.yield %gather3A_254 : vector<16xi32>
        }
      }
      %scan3A_233 = arith.constant 32 : i32
    }
    %while3A_93 = arith.constant 1 : i32
    scf.for %while3A_225 = %while3A_91 to %while3A_87 step %while3A_93  : i32 {
      %mul3A_226 = arith.constant 512 : i32
      %mul3A_227 = arith.muli %while3A_225, %mul3A_226 : i32
      %add3A_228 = arith.addi %multiple_of3A, %mul3A_227 : i32
      "tpu.region"() ({
        %run_scoped3A = tpu.sem_alloc : memref<!tpu.dma_semaphore, #tpu.memory_space<semaphore_mem>>
        %dma_start3A = arith.constant 0 : i32
        %dma_start3A_234 = tpu.memref_slice %arg10[%add3A_228, %dma_start3A] : memref<2098704x16xi32, #tpu.memory_space<hbm>> -> memref<512x16xi32, #tpu.memory_space<hbm>>
        %dma_start3A_235 = arith.constant 0 : i32
        %dma_start3A_236 = tpu.memref_slice %arg10[%add3A_228, %dma_start3A_235] : memref<2098704x16xi32, #tpu.memory_space<hbm>> -> memref<512x16xi32, #tpu.memory_space<hbm>>
        tpu.enqueue_dma source(%dma_start3A_236 : memref<512x16xi32, #tpu.memory_space<hbm>>) target(%arg20 : memref<512x16xi32, #tpu.memory_space<vmem>>) target_semaphore(%run_scoped3A : memref<!tpu.dma_semaphore, #tpu.memory_space<semaphore_mem>>)
        %dma_wait3A = arith.constant 0 : i32
        %dma_wait3A_237 = tpu.memref_slice %arg10[%add3A_228, %dma_wait3A] : memref<2098704x16xi32, #tpu.memory_space<hbm>> -> memref<512x16xi32, #tpu.memory_space<hbm>>
        %dma_wait3A_238 = arith.constant 0 : i32
        %dma_wait3A_239 = tpu.memref_slice %arg10[%add3A_228, %dma_wait3A_238] : memref<2098704x16xi32, #tpu.memory_space<hbm>> -> memref<512x16xi32, #tpu.memory_space<hbm>>
        tpu.wait_dma2 semaphore(%run_scoped3A : memref<!tpu.dma_semaphore, #tpu.memory_space<semaphore_mem>>) src(%dma_wait3A_239 : memref<512x16xi32, #tpu.memory_space<hbm>>) dst(%arg20 : memref<512x16xi32, #tpu.memory_space<vmem>>)
        tpu.yield
      }) : () -> ()
      %scan3A_229 = arith.constant 0 : i32
      %scan3A_230 = arith.constant 32 : i32
      %scan3A_231 = arith.addi %scan3A_229, %scan3A_230 : i32
      %scan3A_232 = arith.constant 1 : i32
      scf.for %scan3A_234 = %scan3A_229 to %scan3A_231 step %scan3A_232  : i32 {
        %mul3A_235 = arith.constant 16 : i32
        %mul3A_236 = arith.muli %scan3A_234, %mul3A_235 : i32
        %add3A_237 = vector.broadcast %mul3A_236 : i32 to vector<16xi32>
        %add3A_238 = arith.addi %add3A_237, %iota3A : vector<16xi32>
        %mul3A_239 = arith.constant 512 : i32
        %mul3A_240 = arith.muli %while3A_225, %mul3A_239 : i32
        %add3A_241 = vector.broadcast %mul3A_240 : i32 to vector<16xi32>
        %add3A_242 = arith.addi %add3A_241, %add3A_238 : vector<16xi32>
        %lt3A = vector.broadcast %reduce_max3A_51 : i32 to vector<16xi32>
        %lt3A_243 = arith.cmpi slt, %add3A_242, %lt3A : vector<16xi32>
        %gather3A = tpu.vector_load_idx %arg20[%add3A_238, %broadcast_in_dim3A_7] : memref<512x16xi32, #tpu.memory_space<vmem>>[vector<16xi32>, vector<16xi32>], vector<16xi32>,
        %and3A_244 = arith.constant 32767 : i32
        %and3A_245 = vector.broadcast %and3A_244 : i32 to vector<16xi32>
        %and3A_246 = arith.andi %gather3A, %and3A_245 : vector<16xi32>
        %gather3A_247 = tpu.vector_load_idx %arg20[%add3A_238, %add3A_10] : memref<512x16xi32, #tpu.memory_space<vmem>>[vector<16xi32>, vector<16xi32>], vector<16xi32>,
        %jit3A_248 = arith.constant -1 : i32
        %broadcast_in_dim3A_249 = vector.broadcast %jit3A_248 : i32 to vector<16xi32>
        %select_n3A_250 = arith.select %lt3A_243, %gather3A_247, %broadcast_in_dim3A_249 : vector<16xi1>, vector<16xi32>
        %gather3A_251 = tpu.vector_load_idx %arg18[%and3A_246] : memref<32768xi32, #tpu.memory_space<vmem>>[vector<16xi32>], vector<16xi32>,
        %while3A_252 = scf.while (%while3A_253 = %gather3A_251) : (vector<16xi32>) -> vector<16xi32> {
          %gt3A = arith.cmpi sgt, %select_n3A_250, %while3A_253 : vector<16xi32>
          %reduce_or3A = arith.constant 1.000000e+00 : f32
          %reduce_or3A_254 = arith.constant 0.000000e+00 : f32
          %reduce_or3A_255 = vector.broadcast %reduce_or3A : f32 to vector<16xf32>
          %reduce_or3A_256 = vector.broadcast %reduce_or3A_254 : f32 to vector<16xf32>
          %reduce_or3A_257 = arith.select %gt3A, %reduce_or3A_255, %reduce_or3A_256 : vector<16xi1>, vector<16xf32>
          %reduce_or3A_258 = arith.constant true
          %reduce_or3A_259 = vector.broadcast %reduce_or3A_258 : i1 to vector<16xi1>
          %reduce_or3A_260 = tpu.scan <max>, %reduce_or3A_257 masked %reduce_or3A_259 : vector<16xf32>, vector<16xi1> -> vector<16xf32>
          %reduce_or3A_261 = vector.extract %reduce_or3A_260[15] : f32 from vector<16xf32>
          %reduce_or3A_262 = arith.constant 0.000000e+00 : f32
          %reduce_or3A_263 = arith.cmpf ogt, %reduce_or3A_261, %reduce_or3A_262 : f32
          scf.condition(%reduce_or3A_263) %while3A_253 : vector<16xi32>
        } do {
        ^bb0(%while3A_253: vector<16xi32>):
          %gt3A = arith.cmpi sgt, %select_n3A_250, %while3A_253 : vector<16xi32>
          tpu.vector_store_idx %arg18[%and3A_246], %select_n3A_250 masked %gt3A : memref<32768xi32, #tpu.memory_space<vmem>>[vector<16xi32>], vector<16xi32>, vector<16xi1>
          %gather3A_254 = tpu.vector_load_idx %arg18[%and3A_246] : memref<32768xi32, #tpu.memory_space<vmem>>[vector<16xi32>], vector<16xi32>,
          scf.yield %gather3A_254 : vector<16xi32>
        }
      }
      %scan3A_233 = arith.constant 32 : i32
    }
    %while3A_94 = arith.constant 0 : i32
    %while3A_95 = arith.constant 0 : i32
    %while3A_96 = arith.subi %select_n3A, %while3A_95 : i32
    %while3A_97 = arith.addi %while3A_95, %while3A_96 : i32
    %while3A_98 = arith.constant 1 : i32
    %while3A_99 = arith.divsi %while3A_96, %while3A_98 : i32
    %while3A_100 = arith.muli %while3A_99, %while3A_98 : i32
    %while3A_101 = arith.addi %while3A_95, %while3A_100 : i32
    %while3A_102 = arith.constant 1 : i32
    scf.for %while3A_225 = %while3A_95 to %while3A_101 step %while3A_102  : i32 {
      %mul3A_226 = arith.constant 512 : i32
      %mul3A_227 = arith.muli %while3A_225, %mul3A_226 : i32
      %add3A_228 = arith.addi %multiple_of3A, %mul3A_227 : i32
      "tpu.region"() ({
        %run_scoped3A = tpu.sem_alloc : memref<!tpu.dma_semaphore, #tpu.memory_space<semaphore_mem>>
        %dma_start3A = arith.constant 0 : i32
        %dma_start3A_234 = tpu.memref_slice %arg10[%add3A_228, %dma_start3A] : memref<2098704x16xi32, #tpu.memory_space<hbm>> -> memref<512x16xi32, #tpu.memory_space<hbm>>
        %dma_start3A_235 = arith.constant 0 : i32
        %dma_start3A_236 = tpu.memref_slice %arg10[%add3A_228, %dma_start3A_235] : memref<2098704x16xi32, #tpu.memory_space<hbm>> -> memref<512x16xi32, #tpu.memory_space<hbm>>
        tpu.enqueue_dma source(%dma_start3A_236 : memref<512x16xi32, #tpu.memory_space<hbm>>) target(%arg20 : memref<512x16xi32, #tpu.memory_space<vmem>>) target_semaphore(%run_scoped3A : memref<!tpu.dma_semaphore, #tpu.memory_space<semaphore_mem>>)
        %dma_wait3A = arith.constant 0 : i32
        %dma_wait3A_237 = tpu.memref_slice %arg10[%add3A_228, %dma_wait3A] : memref<2098704x16xi32, #tpu.memory_space<hbm>> -> memref<512x16xi32, #tpu.memory_space<hbm>>
        %dma_wait3A_238 = arith.constant 0 : i32
        %dma_wait3A_239 = tpu.memref_slice %arg10[%add3A_228, %dma_wait3A_238] : memref<2098704x16xi32, #tpu.memory_space<hbm>> -> memref<512x16xi32, #tpu.memory_space<hbm>>
        tpu.wait_dma2 semaphore(%run_scoped3A : memref<!tpu.dma_semaphore, #tpu.memory_space<semaphore_mem>>) src(%dma_wait3A_239 : memref<512x16xi32, #tpu.memory_space<hbm>>) dst(%arg20 : memref<512x16xi32, #tpu.memory_space<vmem>>)
        tpu.yield
      }) : () -> ()
      %scan3A_229 = arith.constant 0 : i32
      %scan3A_230 = arith.constant 32 : i32
      %scan3A_231 = arith.addi %scan3A_229, %scan3A_230 : i32
      %scan3A_232 = arith.constant 1 : i32
      scf.for %scan3A_234 = %scan3A_229 to %scan3A_231 step %scan3A_232  : i32 {
        %mul3A_235 = arith.constant 16 : i32
        %mul3A_236 = arith.muli %scan3A_234, %mul3A_235 : i32
        %add3A_237 = vector.broadcast %mul3A_236 : i32 to vector<16xi32>
        %add3A_238 = arith.addi %add3A_237, %iota3A : vector<16xi32>
        %mul3A_239 = arith.constant 512 : i32
        %mul3A_240 = arith.muli %while3A_225, %mul3A_239 : i32
        %add3A_241 = vector.broadcast %mul3A_240 : i32 to vector<16xi32>
        %add3A_242 = arith.addi %add3A_241, %add3A_238 : vector<16xi32>
        %lt3A = vector.broadcast %reduce_max3A_51 : i32 to vector<16xi32>
        %lt3A_243 = arith.cmpi slt, %add3A_242, %lt3A : vector<16xi32>
        %gather3A = tpu.vector_load_idx %arg20[%add3A_238, %broadcast_in_dim3A_7] : memref<512x16xi32, #tpu.memory_space<vmem>>[vector<16xi32>, vector<16xi32>], vector<16xi32>,
        %and3A_244 = arith.constant 32767 : i32
        %and3A_245 = vector.broadcast %and3A_244 : i32 to vector<16xi32>
        %and3A_246 = arith.andi %gather3A, %and3A_245 : vector<16xi32>
        %gather3A_247 = tpu.vector_load_idx %arg20[%add3A_238, %add3A_10] : memref<512x16xi32, #tpu.memory_space<vmem>>[vector<16xi32>, vector<16xi32>], vector<16xi32>,
        %jit3A_248 = arith.constant -1 : i32
        %broadcast_in_dim3A_249 = vector.broadcast %jit3A_248 : i32 to vector<16xi32>
        %select_n3A_250 = arith.select %lt3A_243, %gather3A_247, %broadcast_in_dim3A_249 : vector<16xi1>, vector<16xi32>
        %gather3A_251 = tpu.vector_load_idx %arg20[%add3A_238, %add3A_13] : memref<512x16xi32, #tpu.memory_space<vmem>>[vector<16xi32>, vector<16xi32>], vector<16xi32>,
        %bitcast3A = vector.bitcast %gather3A_251 : vector<16xi32> to vector<16xf32>
        %gather3A_252 = tpu.vector_load_idx %arg20[%add3A_238, %add3A_16] : memref<512x16xi32, #tpu.memory_space<vmem>>[vector<16xi32>, vector<16xi32>], vector<16xi32>,
        %bitcast3A_253 = vector.bitcast %gather3A_252 : vector<16xi32> to vector<16xf32>
        %gather3A_254 = tpu.vector_load_idx %arg18[%and3A_246] : memref<32768xi32, #tpu.memory_space<vmem>>[vector<16xi32>], vector<16xi32>,
        %eq3A = arith.cmpi eq, %select_n3A_250, %gather3A_254 : vector<16xi32>
        %and3A_255 = arith.andi %eq3A, %lt3A_243 : vector<16xi1>
        %mul3A_256 = arith.constant 2 : i32
        %mul3A_257 = vector.broadcast %mul3A_256 : i32 to vector<16xi32>
        %mul3A_258 = arith.muli %and3A_246, %mul3A_257 : vector<16xi32>
        tpu.vector_store_idx %arg19[%mul3A_258], %bitcast3A masked %and3A_255 : memref<65536xf32, #tpu.memory_space<vmem>>[vector<16xi32>], vector<16xf32>, vector<16xi1>
        %mul3A_259 = arith.constant 2 : i32
        %mul3A_260 = vector.broadcast %mul3A_259 : i32 to vector<16xi32>
        %mul3A_261 = arith.muli %and3A_246, %mul3A_260 : vector<16xi32>
        %add3A_262 = arith.constant 1 : i32
        %add3A_263 = vector.broadcast %add3A_262 : i32 to vector<16xi32>
        %add3A_264 = arith.addi %mul3A_261, %add3A_263 : vector<16xi32>
        tpu.vector_store_idx %arg19[%add3A_264], %bitcast3A_253 masked %and3A_255 : memref<65536xf32, #tpu.memory_space<vmem>>[vector<16xi32>], vector<16xf32>, vector<16xi1>
      }
      %scan3A_233 = arith.constant 32 : i32
    }
    %while3A_103 = arith.constant 1 : i32
    scf.for %while3A_225 = %while3A_101 to %while3A_97 step %while3A_103  : i32 {
      %mul3A_226 = arith.constant 512 : i32
      %mul3A_227 = arith.muli %while3A_225, %mul3A_226 : i32
      %add3A_228 = arith.addi %multiple_of3A, %mul3A_227 : i32
      "tpu.region"() ({
        %run_scoped3A = tpu.sem_alloc : memref<!tpu.dma_semaphore, #tpu.memory_space<semaphore_mem>>
        %dma_start3A = arith.constant 0 : i32
        %dma_start3A_234 = tpu.memref_slice %arg10[%add3A_228, %dma_start3A] : memref<2098704x16xi32, #tpu.memory_space<hbm>> -> memref<512x16xi32, #tpu.memory_space<hbm>>
        %dma_start3A_235 = arith.constant 0 : i32
        %dma_start3A_236 = tpu.memref_slice %arg10[%add3A_228, %dma_start3A_235] : memref<2098704x16xi32, #tpu.memory_space<hbm>> -> memref<512x16xi32, #tpu.memory_space<hbm>>
        tpu.enqueue_dma source(%dma_start3A_236 : memref<512x16xi32, #tpu.memory_space<hbm>>) target(%arg20 : memref<512x16xi32, #tpu.memory_space<vmem>>) target_semaphore(%run_scoped3A : memref<!tpu.dma_semaphore, #tpu.memory_space<semaphore_mem>>)
        %dma_wait3A = arith.constant 0 : i32
        %dma_wait3A_237 = tpu.memref_slice %arg10[%add3A_228, %dma_wait3A] : memref<2098704x16xi32, #tpu.memory_space<hbm>> -> memref<512x16xi32, #tpu.memory_space<hbm>>
        %dma_wait3A_238 = arith.constant 0 : i32
        %dma_wait3A_239 = tpu.memref_slice %arg10[%add3A_228, %dma_wait3A_238] : memref<2098704x16xi32, #tpu.memory_space<hbm>> -> memref<512x16xi32, #tpu.memory_space<hbm>>
        tpu.wait_dma2 semaphore(%run_scoped3A : memref<!tpu.dma_semaphore, #tpu.memory_space<semaphore_mem>>) src(%dma_wait3A_239 : memref<512x16xi32, #tpu.memory_space<hbm>>) dst(%arg20 : memref<512x16xi32, #tpu.memory_space<vmem>>)
        tpu.yield
      }) : () -> ()
      %scan3A_229 = arith.constant 0 : i32
      %scan3A_230 = arith.constant 32 : i32
      %scan3A_231 = arith.addi %scan3A_229, %scan3A_230 : i32
      %scan3A_232 = arith.constant 1 : i32
      scf.for %scan3A_234 = %scan3A_229 to %scan3A_231 step %scan3A_232  : i32 {
        %mul3A_235 = arith.constant 16 : i32
        %mul3A_236 = arith.muli %scan3A_234, %mul3A_235 : i32
        %add3A_237 = vector.broadcast %mul3A_236 : i32 to vector<16xi32>
        %add3A_238 = arith.addi %add3A_237, %iota3A : vector<16xi32>
        %mul3A_239 = arith.constant 512 : i32
        %mul3A_240 = arith.muli %while3A_225, %mul3A_239 : i32
        %add3A_241 = vector.broadcast %mul3A_240 : i32 to vector<16xi32>
        %add3A_242 = arith.addi %add3A_241, %add3A_238 : vector<16xi32>
        %lt3A = vector.broadcast %reduce_max3A_51 : i32 to vector<16xi32>
        %lt3A_243 = arith.cmpi slt, %add3A_242, %lt3A : vector<16xi32>
        %gather3A = tpu.vector_load_idx %arg20[%add3A_238, %broadcast_in_dim3A_7] : memref<512x16xi32, #tpu.memory_space<vmem>>[vector<16xi32>, vector<16xi32>], vector<16xi32>,
        %and3A_244 = arith.constant 32767 : i32
        %and3A_245 = vector.broadcast %and3A_244 : i32 to vector<16xi32>
        %and3A_246 = arith.andi %gather3A, %and3A_245 : vector<16xi32>
        %gather3A_247 = tpu.vector_load_idx %arg20[%add3A_238, %add3A_10] : memref<512x16xi32, #tpu.memory_space<vmem>>[vector<16xi32>, vector<16xi32>], vector<16xi32>,
        %jit3A_248 = arith.constant -1 : i32
        %broadcast_in_dim3A_249 = vector.broadcast %jit3A_248 : i32 to vector<16xi32>
        %select_n3A_250 = arith.select %lt3A_243, %gather3A_247, %broadcast_in_dim3A_249 : vector<16xi1>, vector<16xi32>
        %gather3A_251 = tpu.vector_load_idx %arg20[%add3A_238, %add3A_13] : memref<512x16xi32, #tpu.memory_space<vmem>>[vector<16xi32>, vector<16xi32>], vector<16xi32>,
        %bitcast3A = vector.bitcast %gather3A_251 : vector<16xi32> to vector<16xf32>
        %gather3A_252 = tpu.vector_load_idx %arg20[%add3A_238, %add3A_16] : memref<512x16xi32, #tpu.memory_space<vmem>>[vector<16xi32>, vector<16xi32>], vector<16xi32>,
        %bitcast3A_253 = vector.bitcast %gather3A_252 : vector<16xi32> to vector<16xf32>
        %gather3A_254 = tpu.vector_load_idx %arg18[%and3A_246] : memref<32768xi32, #tpu.memory_space<vmem>>[vector<16xi32>], vector<16xi32>,
        %eq3A = arith.cmpi eq, %select_n3A_250, %gather3A_254 : vector<16xi32>
        %and3A_255 = arith.andi %eq3A, %lt3A_243 : vector<16xi1>
        %mul3A_256 = arith.constant 2 : i32
        %mul3A_257 = vector.broadcast %mul3A_256 : i32 to vector<16xi32>
        %mul3A_258 = arith.muli %and3A_246, %mul3A_257 : vector<16xi32>
        tpu.vector_store_idx %arg19[%mul3A_258], %bitcast3A masked %and3A_255 : memref<65536xf32, #tpu.memory_space<vmem>>[vector<16xi32>], vector<16xf32>, vector<16xi1>
        %mul3A_259 = arith.constant 2 : i32
        %mul3A_260 = vector.broadcast %mul3A_259 : i32 to vector<16xi32>
        %mul3A_261 = arith.muli %and3A_246, %mul3A_260 : vector<16xi32>
        %add3A_262 = arith.constant 1 : i32
        %add3A_263 = vector.broadcast %add3A_262 : i32 to vector<16xi32>
        %add3A_264 = arith.addi %mul3A_261, %add3A_263 : vector<16xi32>
        tpu.vector_store_idx %arg19[%add3A_264], %bitcast3A_253 masked %and3A_255 : memref<65536xf32, #tpu.memory_space<vmem>>[vector<16xi32>], vector<16xf32>, vector<16xi1>
      }
      %scan3A_233 = arith.constant 32 : i32
    }
    %mul3A_104 = arith.constant 1048576 : i32
    %mul3A_105 = arith.muli %arg0, %mul3A_104 : i32
    %mul3A_106 = arith.constant 32768 : i32
    %mul3A_107 = arith.muli %add3A_25, %mul3A_106 : i32
    %add3A_108 = arith.addi %mul3A_105, %mul3A_107 : i32
    "tpu.region"() ({
      %run_scoped3A = tpu.sem_alloc : memref<!tpu.dma_semaphore, #tpu.memory_space<semaphore_mem>>
      %dma_start3A = tpu.memref_slice %arg8[%add3A_108] : memref<2097152xi32, #tpu.memory_space<hbm>> -> memref<32768xi32, #tpu.memory_space<hbm>>
      %dma_start3A_225 = tpu.memref_slice %arg8[%add3A_108] : memref<2097152xi32, #tpu.memory_space<hbm>> -> memref<32768xi32, #tpu.memory_space<hbm>>
      tpu.enqueue_dma source(%arg18 : memref<32768xi32, #tpu.memory_space<vmem>>) target(%dma_start3A_225 : memref<32768xi32, #tpu.memory_space<hbm>>) target_semaphore(%run_scoped3A : memref<!tpu.dma_semaphore, #tpu.memory_space<semaphore_mem>>)
      %dma_wait3A = tpu.memref_slice %arg8[%add3A_108] : memref<2097152xi32, #tpu.memory_space<hbm>> -> memref<32768xi32, #tpu.memory_space<hbm>>
      %dma_wait3A_226 = tpu.memref_slice %arg8[%add3A_108] : memref<2097152xi32, #tpu.memory_space<hbm>> -> memref<32768xi32, #tpu.memory_space<hbm>>
      tpu.wait_dma2 semaphore(%run_scoped3A : memref<!tpu.dma_semaphore, #tpu.memory_space<semaphore_mem>>) src(%arg18 : memref<32768xi32, #tpu.memory_space<vmem>>) dst(%dma_wait3A_226 : memref<32768xi32, #tpu.memory_space<hbm>>)
      tpu.yield
    }) : () -> ()
    %mul3A_109 = arith.constant 2 : i32
    %mul3A_110 = arith.muli %mul3A_109, %arg0 : i32
    %mul3A_111 = arith.constant 1048576 : i32
    %mul3A_112 = arith.muli %mul3A_110, %mul3A_111 : i32
    %mul3A_113 = arith.constant 2 : i32
    %mul3A_114 = arith.muli %add3A_25, %mul3A_113 : i32
    %mul3A_115 = arith.constant 32768 : i32
    %mul3A_116 = arith.muli %mul3A_114, %mul3A_115 : i32
    %add3A_117 = arith.addi %mul3A_112, %mul3A_116 : i32
    "tpu.region"() ({
      %run_scoped3A = tpu.sem_alloc : memref<!tpu.dma_semaphore, #tpu.memory_space<semaphore_mem>>
      %dma_start3A = tpu.memref_slice %arg9[%add3A_117] : memref<4194304xf32, #tpu.memory_space<hbm>> -> memref<65536xf32, #tpu.memory_space<hbm>>
      %dma_start3A_225 = tpu.memref_slice %arg9[%add3A_117] : memref<4194304xf32, #tpu.memory_space<hbm>> -> memref<65536xf32, #tpu.memory_space<hbm>>
      tpu.enqueue_dma source(%arg19 : memref<65536xf32, #tpu.memory_space<vmem>>) target(%dma_start3A_225 : memref<65536xf32, #tpu.memory_space<hbm>>) target_semaphore(%run_scoped3A : memref<!tpu.dma_semaphore, #tpu.memory_space<semaphore_mem>>)
      %dma_wait3A = tpu.memref_slice %arg9[%add3A_117] : memref<4194304xf32, #tpu.memory_space<hbm>> -> memref<65536xf32, #tpu.memory_space<hbm>>
      %dma_wait3A_226 = tpu.memref_slice %arg9[%add3A_117] : memref<4194304xf32, #tpu.memory_space<hbm>> -> memref<65536xf32, #tpu.memory_space<hbm>>
      tpu.wait_dma2 semaphore(%run_scoped3A : memref<!tpu.dma_semaphore, #tpu.memory_space<semaphore_mem>>) src(%arg19 : memref<65536xf32, #tpu.memory_space<vmem>>) dst(%dma_wait3A_226 : memref<65536xf32, #tpu.memory_space<hbm>>)
      tpu.yield
    }) : () -> ()
    %mul3A_118 = arith.constant 2 : i32
    %mul3A_119 = arith.muli %mul3A_118, %arg1 : i32
    %add3A_120 = arith.constant 1 : i32
    %add3A_121 = arith.addi %mul3A_119, %add3A_120 : i32
    %get3A_122 = arith.constant 1 : i32
    %get3A_123 = arith.constant 0 : i32
    %get3A_124 = arith.index_cast %get3A_122 : i32 to index
    %get3A_125 = arith.index_cast %get3A_123 : i32 to index
    %get3A_126 = arith.constant 0 : index
    %get3A_127 = tpu.vector_load %arg21[%get3A_124, %get3A_125, %get3A_126] {strides = array<i32>} : memref<2x2x16xi32, #tpu.memory_space<vmem>>, vector<16xi32>,
    %reduce_max3A_128 = arith.constant true
    %reduce_max3A_129 = vector.broadcast %reduce_max3A_128 : i1 to vector<16xi1>
    %reduce_max3A_130 = arith.constant -2147483648 : i32
    %reduce_max3A_131 = vector.broadcast %reduce_max3A_130 : i32 to vector<16xi32>
    %reduce_max3A_132 = arith.xori %get3A_127, %reduce_max3A_131 : vector<16xi32>
    %reduce_max3A_133 = tpu.scan <max>, %reduce_max3A_132 masked %reduce_max3A_129 : vector<16xi32>, vector<16xi1> -> vector<16xi32>
    %reduce_max3A_134 = arith.xori %reduce_max3A_133, %reduce_max3A_131 : vector<16xi32>
    %reduce_max3A_135 = vector.extract %reduce_max3A_134[15] : i32 from vector<16xi32>
    %multiple_of3A_136 = tpu.assume_multiple %reduce_max3A_135, 8 : i32
    %get3A_137 = arith.constant 1 : i32
    %get3A_138 = arith.constant 1 : i32
    %get3A_139 = arith.index_cast %get3A_137 : i32 to index
    %get3A_140 = arith.index_cast %get3A_138 : i32 to index
    %get3A_141 = arith.constant 0 : index
    %get3A_142 = tpu.vector_load %arg21[%get3A_139, %get3A_140, %get3A_141] {strides = array<i32>} : memref<2x2x16xi32, #tpu.memory_space<vmem>>, vector<16xi32>,
    %reduce_max3A_143 = arith.constant true
    %reduce_max3A_144 = vector.broadcast %reduce_max3A_143 : i1 to vector<16xi1>
    %reduce_max3A_145 = arith.constant -2147483648 : i32
    %reduce_max3A_146 = vector.broadcast %reduce_max3A_145 : i32 to vector<16xi32>
    %reduce_max3A_147 = arith.xori %get3A_142, %reduce_max3A_146 : vector<16xi32>
    %reduce_max3A_148 = tpu.scan <max>, %reduce_max3A_147 masked %reduce_max3A_144 : vector<16xi32>, vector<16xi1> -> vector<16xi32>
    %reduce_max3A_149 = arith.xori %reduce_max3A_148, %reduce_max3A_146 : vector<16xi32>
    %reduce_max3A_150 = vector.extract %reduce_max3A_149[15] : i32 from vector<16xi32>
    %scan3A_151 = arith.constant 0 : i32
    %scan3A_152 = arith.constant 0 : i32
    %scan3A_153 = arith.constant 2048 : i32
    %scan3A_154 = arith.addi %scan3A_152, %scan3A_153 : i32
    %scan3A_155 = arith.constant 1 : i32
    scf.for %scan3A_225 = %scan3A_152 to %scan3A_154 step %scan3A_155  : i32 {
      %mul3A_226 = arith.constant 16 : i32
      %mul3A_227 = arith.muli %scan3A_225, %mul3A_226 : i32
      %swap3A = arith.index_cast %mul3A_227 : i32 to index
      %swap3A_228 = tpu.vector_load %arg18[%swap3A] {strides = array<i32>} : memref<32768xi32, #tpu.memory_space<vmem>>, vector<16xi32>,
      tpu.vector_store %arg18[%swap3A], %sub3A_5 {strides = array<i32>} : memref<32768xi32, #tpu.memory_space<vmem>>, vector<16xi32>,
    }
    %scan3A_156 = arith.constant 2048 : i32
    %scan3A_157 = arith.constant 0 : i32
    %scan3A_158 = arith.constant 0 : i32
    %scan3A_159 = arith.constant 4096 : i32
    %scan3A_160 = arith.addi %scan3A_158, %scan3A_159 : i32
    %scan3A_161 = arith.constant 1 : i32
    scf.for %scan3A_225 = %scan3A_158 to %scan3A_160 step %scan3A_161  : i32 {
      %mul3A_226 = arith.constant 16 : i32
      %mul3A_227 = arith.muli %scan3A_225, %mul3A_226 : i32
      %swap3A = arith.index_cast %mul3A_227 : i32 to index
      %swap3A_228 = tpu.vector_load %arg19[%swap3A] {strides = array<i32>} : memref<65536xf32, #tpu.memory_space<vmem>>, vector<16xf32>,
      tpu.vector_store %arg19[%swap3A], %broadcast_in_dim3A_1 {strides = array<i32>} : memref<65536xf32, #tpu.memory_space<vmem>>, vector<16xf32>,
    }
    %scan3A_162 = arith.constant 4096 : i32
    %add3A_163 = arith.constant 512 : i32
    %add3A_164 = arith.addi %reduce_max3A_150, %add3A_163 : i32
    %sub3A_165 = arith.constant 1 : i32
    %sub3A_166 = arith.subi %add3A_164, %sub3A_165 : i32
    %jit3A_167 = arith.constant 512 : i32
    %div3A_168 = arith.divsi %sub3A_166, %jit3A_167 : i32
    %sign3A_169 = arith.constant 0 : i32
    %sign3A_170 = arith.cmpi sgt, %sub3A_166, %sign3A_169 : i32
    %sign3A_171 = arith.extui %sign3A_170 : i1 to i32
    %sign3A_172 = arith.constant 0 : i32
    %sign3A_173 = arith.cmpi slt, %sub3A_166, %sign3A_172 : i32
    %sign3A_174 = arith.extui %sign3A_173 : i1 to i32
    %sign3A_175 = arith.subi %sign3A_171, %sign3A_174 : i32
    %sign3A_176 = arith.constant 0 : i32
    %sign3A_177 = arith.cmpi sgt, %jit3A_167, %sign3A_176 : i32
    %sign3A_178 = arith.extui %sign3A_177 : i1 to i32
    %sign3A_179 = arith.constant 0 : i32
    %sign3A_180 = arith.cmpi slt, %jit3A_167, %sign3A_179 : i32
    %sign3A_181 = arith.extui %sign3A_180 : i1 to i32
    %sign3A_182 = arith.subi %sign3A_178, %sign3A_181 : i32
    %ne3A_183 = arith.cmpi ne, %sign3A_175, %sign3A_182 : i32
    %rem3A_184 = arith.remsi %sub3A_166, %jit3A_167 : i32
    %ne3A_185 = arith.constant 0 : i32
    %ne3A_186 = arith.cmpi ne, %rem3A_184, %ne3A_185 : i32
    %and3A_187 = arith.andi %ne3A_183, %ne3A_186 : i1
    %sub3A_188 = arith.constant 1 : i32
    %sub3A_189 = arith.subi %div3A_168, %sub3A_188 : i32
    %select_n3A_190 = arith.select %and3A_187, %sub3A_189, %div3A_168 : i32
    %while3A_191 = arith.constant 0 : i32
    %while3A_192 = arith.constant 0 : i32
    %while3A_193 = arith.subi %select_n3A_190, %while3A_192 : i32
    %while3A_194 = arith.addi %while3A_192, %while3A_193 : i32
    %while3A_195 = arith.constant 1 : i32
    %while3A_196 = arith.divsi %while3A_193, %while3A_195 : i32
    %while3A_197 = arith.muli %while3A_196, %while3A_195 : i32
    %while3A_198 = arith.addi %while3A_192, %while3A_197 : i32
    %while3A_199 = arith.constant 1 : i32
    scf.for %while3A_225 = %while3A_192 to %while3A_198 step %while3A_199  : i32 {
      %mul3A_226 = arith.constant 512 : i32
      %mul3A_227 = arith.muli %while3A_225, %mul3A_226 : i32
      %add3A_228 = arith.addi %multiple_of3A_136, %mul3A_227 : i32
      "tpu.region"() ({
        %run_scoped3A = tpu.sem_alloc : memref<!tpu.dma_semaphore, #tpu.memory_space<semaphore_mem>>
        %dma_start3A = arith.constant 0 : i32
        %dma_start3A_234 = tpu.memref_slice %arg10[%add3A_228, %dma_start3A] : memref<2098704x16xi32, #tpu.memory_space<hbm>> -> memref<512x16xi32, #tpu.memory_space<hbm>>
        %dma_start3A_235 = arith.constant 0 : i32
        %dma_start3A_236 = tpu.memref_slice %arg10[%add3A_228, %dma_start3A_235] : memref<2098704x16xi32, #tpu.memory_space<hbm>> -> memref<512x16xi32, #tpu.memory_space<hbm>>
        tpu.enqueue_dma source(%dma_start3A_236 : memref<512x16xi32, #tpu.memory_space<hbm>>) target(%arg20 : memref<512x16xi32, #tpu.memory_space<vmem>>) target_semaphore(%run_scoped3A : memref<!tpu.dma_semaphore, #tpu.memory_space<semaphore_mem>>)
        %dma_wait3A = arith.constant 0 : i32
        %dma_wait3A_237 = tpu.memref_slice %arg10[%add3A_228, %dma_wait3A] : memref<2098704x16xi32, #tpu.memory_space<hbm>> -> memref<512x16xi32, #tpu.memory_space<hbm>>
        %dma_wait3A_238 = arith.constant 0 : i32
        %dma_wait3A_239 = tpu.memref_slice %arg10[%add3A_228, %dma_wait3A_238] : memref<2098704x16xi32, #tpu.memory_space<hbm>> -> memref<512x16xi32, #tpu.memory_space<hbm>>
        tpu.wait_dma2 semaphore(%run_scoped3A : memref<!tpu.dma_semaphore, #tpu.memory_space<semaphore_mem>>) src(%dma_wait3A_239 : memref<512x16xi32, #tpu.memory_space<hbm>>) dst(%arg20 : memref<512x16xi32, #tpu.memory_space<vmem>>)
        tpu.yield
      }) : () -> ()
      %scan3A_229 = arith.constant 0 : i32
      %scan3A_230 = arith.constant 32 : i32
      %scan3A_231 = arith.addi %scan3A_229, %scan3A_230 : i32
      %scan3A_232 = arith.constant 1 : i32
      scf.for %scan3A_234 = %scan3A_229 to %scan3A_231 step %scan3A_232  : i32 {
        %mul3A_235 = arith.constant 16 : i32
        %mul3A_236 = arith.muli %scan3A_234, %mul3A_235 : i32
        %add3A_237 = vector.broadcast %mul3A_236 : i32 to vector<16xi32>
        %add3A_238 = arith.addi %add3A_237, %iota3A : vector<16xi32>
        %mul3A_239 = arith.constant 512 : i32
        %mul3A_240 = arith.muli %while3A_225, %mul3A_239 : i32
        %add3A_241 = vector.broadcast %mul3A_240 : i32 to vector<16xi32>
        %add3A_242 = arith.addi %add3A_241, %add3A_238 : vector<16xi32>
        %lt3A = vector.broadcast %reduce_max3A_150 : i32 to vector<16xi32>
        %lt3A_243 = arith.cmpi slt, %add3A_242, %lt3A : vector<16xi32>
        %gather3A = tpu.vector_load_idx %arg20[%add3A_238, %broadcast_in_dim3A_7] : memref<512x16xi32, #tpu.memory_space<vmem>>[vector<16xi32>, vector<16xi32>], vector<16xi32>,
        %and3A_244 = arith.constant 32767 : i32
        %and3A_245 = vector.broadcast %and3A_244 : i32 to vector<16xi32>
        %and3A_246 = arith.andi %gather3A, %and3A_245 : vector<16xi32>
        %gather3A_247 = tpu.vector_load_idx %arg20[%add3A_238, %add3A_10] : memref<512x16xi32, #tpu.memory_space<vmem>>[vector<16xi32>, vector<16xi32>], vector<16xi32>,
        %jit3A_248 = arith.constant -1 : i32
        %broadcast_in_dim3A_249 = vector.broadcast %jit3A_248 : i32 to vector<16xi32>
        %select_n3A_250 = arith.select %lt3A_243, %gather3A_247, %broadcast_in_dim3A_249 : vector<16xi1>, vector<16xi32>
        %gather3A_251 = tpu.vector_load_idx %arg18[%and3A_246] : memref<32768xi32, #tpu.memory_space<vmem>>[vector<16xi32>], vector<16xi32>,
        %while3A_252 = scf.while (%while3A_253 = %gather3A_251) : (vector<16xi32>) -> vector<16xi32> {
          %gt3A = arith.cmpi sgt, %select_n3A_250, %while3A_253 : vector<16xi32>
          %reduce_or3A = arith.constant 1.000000e+00 : f32
          %reduce_or3A_254 = arith.constant 0.000000e+00 : f32
          %reduce_or3A_255 = vector.broadcast %reduce_or3A : f32 to vector<16xf32>
          %reduce_or3A_256 = vector.broadcast %reduce_or3A_254 : f32 to vector<16xf32>
          %reduce_or3A_257 = arith.select %gt3A, %reduce_or3A_255, %reduce_or3A_256 : vector<16xi1>, vector<16xf32>
          %reduce_or3A_258 = arith.constant true
          %reduce_or3A_259 = vector.broadcast %reduce_or3A_258 : i1 to vector<16xi1>
          %reduce_or3A_260 = tpu.scan <max>, %reduce_or3A_257 masked %reduce_or3A_259 : vector<16xf32>, vector<16xi1> -> vector<16xf32>
          %reduce_or3A_261 = vector.extract %reduce_or3A_260[15] : f32 from vector<16xf32>
          %reduce_or3A_262 = arith.constant 0.000000e+00 : f32
          %reduce_or3A_263 = arith.cmpf ogt, %reduce_or3A_261, %reduce_or3A_262 : f32
          scf.condition(%reduce_or3A_263) %while3A_253 : vector<16xi32>
        } do {
        ^bb0(%while3A_253: vector<16xi32>):
          %gt3A = arith.cmpi sgt, %select_n3A_250, %while3A_253 : vector<16xi32>
          tpu.vector_store_idx %arg18[%and3A_246], %select_n3A_250 masked %gt3A : memref<32768xi32, #tpu.memory_space<vmem>>[vector<16xi32>], vector<16xi32>, vector<16xi1>
          %gather3A_254 = tpu.vector_load_idx %arg18[%and3A_246] : memref<32768xi32, #tpu.memory_space<vmem>>[vector<16xi32>], vector<16xi32>,
          scf.yield %gather3A_254 : vector<16xi32>
        }
      }
      %scan3A_233 = arith.constant 32 : i32
    }
    %while3A_200 = arith.constant 1 : i32
    scf.for %while3A_225 = %while3A_198 to %while3A_194 step %while3A_200  : i32 {
      %mul3A_226 = arith.constant 512 : i32
      %mul3A_227 = arith.muli %while3A_225, %mul3A_226 : i32
      %add3A_228 = arith.addi %multiple_of3A_136, %mul3A_227 : i32
      "tpu.region"() ({
        %run_scoped3A = tpu.sem_alloc : memref<!tpu.dma_semaphore, #tpu.memory_space<semaphore_mem>>
        %dma_start3A = arith.constant 0 : i32
        %dma_start3A_234 = tpu.memref_slice %arg10[%add3A_228, %dma_start3A] : memref<2098704x16xi32, #tpu.memory_space<hbm>> -> memref<512x16xi32, #tpu.memory_space<hbm>>
        %dma_start3A_235 = arith.constant 0 : i32
        %dma_start3A_236 = tpu.memref_slice %arg10[%add3A_228, %dma_start3A_235] : memref<2098704x16xi32, #tpu.memory_space<hbm>> -> memref<512x16xi32, #tpu.memory_space<hbm>>
        tpu.enqueue_dma source(%dma_start3A_236 : memref<512x16xi32, #tpu.memory_space<hbm>>) target(%arg20 : memref<512x16xi32, #tpu.memory_space<vmem>>) target_semaphore(%run_scoped3A : memref<!tpu.dma_semaphore, #tpu.memory_space<semaphore_mem>>)
        %dma_wait3A = arith.constant 0 : i32
        %dma_wait3A_237 = tpu.memref_slice %arg10[%add3A_228, %dma_wait3A] : memref<2098704x16xi32, #tpu.memory_space<hbm>> -> memref<512x16xi32, #tpu.memory_space<hbm>>
        %dma_wait3A_238 = arith.constant 0 : i32
        %dma_wait3A_239 = tpu.memref_slice %arg10[%add3A_228, %dma_wait3A_238] : memref<2098704x16xi32, #tpu.memory_space<hbm>> -> memref<512x16xi32, #tpu.memory_space<hbm>>
        tpu.wait_dma2 semaphore(%run_scoped3A : memref<!tpu.dma_semaphore, #tpu.memory_space<semaphore_mem>>) src(%dma_wait3A_239 : memref<512x16xi32, #tpu.memory_space<hbm>>) dst(%arg20 : memref<512x16xi32, #tpu.memory_space<vmem>>)
        tpu.yield
      }) : () -> ()
      %scan3A_229 = arith.constant 0 : i32
      %scan3A_230 = arith.constant 32 : i32
      %scan3A_231 = arith.addi %scan3A_229, %scan3A_230 : i32
      %scan3A_232 = arith.constant 1 : i32
      scf.for %scan3A_234 = %scan3A_229 to %scan3A_231 step %scan3A_232  : i32 {
        %mul3A_235 = arith.constant 16 : i32
        %mul3A_236 = arith.muli %scan3A_234, %mul3A_235 : i32
        %add3A_237 = vector.broadcast %mul3A_236 : i32 to vector<16xi32>
        %add3A_238 = arith.addi %add3A_237, %iota3A : vector<16xi32>
        %mul3A_239 = arith.constant 512 : i32
        %mul3A_240 = arith.muli %while3A_225, %mul3A_239 : i32
        %add3A_241 = vector.broadcast %mul3A_240 : i32 to vector<16xi32>
        %add3A_242 = arith.addi %add3A_241, %add3A_238 : vector<16xi32>
        %lt3A = vector.broadcast %reduce_max3A_150 : i32 to vector<16xi32>
        %lt3A_243 = arith.cmpi slt, %add3A_242, %lt3A : vector<16xi32>
        %gather3A = tpu.vector_load_idx %arg20[%add3A_238, %broadcast_in_dim3A_7] : memref<512x16xi32, #tpu.memory_space<vmem>>[vector<16xi32>, vector<16xi32>], vector<16xi32>,
        %and3A_244 = arith.constant 32767 : i32
        %and3A_245 = vector.broadcast %and3A_244 : i32 to vector<16xi32>
        %and3A_246 = arith.andi %gather3A, %and3A_245 : vector<16xi32>
        %gather3A_247 = tpu.vector_load_idx %arg20[%add3A_238, %add3A_10] : memref<512x16xi32, #tpu.memory_space<vmem>>[vector<16xi32>, vector<16xi32>], vector<16xi32>,
        %jit3A_248 = arith.constant -1 : i32
        %broadcast_in_dim3A_249 = vector.broadcast %jit3A_248 : i32 to vector<16xi32>
        %select_n3A_250 = arith.select %lt3A_243, %gather3A_247, %broadcast_in_dim3A_249 : vector<16xi1>, vector<16xi32>
        %gather3A_251 = tpu.vector_load_idx %arg18[%and3A_246] : memref<32768xi32, #tpu.memory_space<vmem>>[vector<16xi32>], vector<16xi32>,
        %while3A_252 = scf.while (%while3A_253 = %gather3A_251) : (vector<16xi32>) -> vector<16xi32> {
          %gt3A = arith.cmpi sgt, %select_n3A_250, %while3A_253 : vector<16xi32>
          %reduce_or3A = arith.constant 1.000000e+00 : f32
          %reduce_or3A_254 = arith.constant 0.000000e+00 : f32
          %reduce_or3A_255 = vector.broadcast %reduce_or3A : f32 to vector<16xf32>
          %reduce_or3A_256 = vector.broadcast %reduce_or3A_254 : f32 to vector<16xf32>
          %reduce_or3A_257 = arith.select %gt3A, %reduce_or3A_255, %reduce_or3A_256 : vector<16xi1>, vector<16xf32>
          %reduce_or3A_258 = arith.constant true
          %reduce_or3A_259 = vector.broadcast %reduce_or3A_258 : i1 to vector<16xi1>
          %reduce_or3A_260 = tpu.scan <max>, %reduce_or3A_257 masked %reduce_or3A_259 : vector<16xf32>, vector<16xi1> -> vector<16xf32>
          %reduce_or3A_261 = vector.extract %reduce_or3A_260[15] : f32 from vector<16xf32>
          %reduce_or3A_262 = arith.constant 0.000000e+00 : f32
          %reduce_or3A_263 = arith.cmpf ogt, %reduce_or3A_261, %reduce_or3A_262 : f32
          scf.condition(%reduce_or3A_263) %while3A_253 : vector<16xi32>
        } do {
        ^bb0(%while3A_253: vector<16xi32>):
          %gt3A = arith.cmpi sgt, %select_n3A_250, %while3A_253 : vector<16xi32>
          tpu.vector_store_idx %arg18[%and3A_246], %select_n3A_250 masked %gt3A : memref<32768xi32, #tpu.memory_space<vmem>>[vector<16xi32>], vector<16xi32>, vector<16xi1>
          %gather3A_254 = tpu.vector_load_idx %arg18[%and3A_246] : memref<32768xi32, #tpu.memory_space<vmem>>[vector<16xi32>], vector<16xi32>,
          scf.yield %gather3A_254 : vector<16xi32>
        }
      }
      %scan3A_233 = arith.constant 32 : i32
    }
    %while3A_201 = arith.constant 0 : i32
    %while3A_202 = arith.constant 0 : i32
    %while3A_203 = arith.subi %select_n3A_190, %while3A_202 : i32
    %while3A_204 = arith.addi %while3A_202, %while3A_203 : i32
    %while3A_205 = arith.constant 1 : i32
    %while3A_206 = arith.divsi %while3A_203, %while3A_205 : i32
    %while3A_207 = arith.muli %while3A_206, %while3A_205 : i32
    %while3A_208 = arith.addi %while3A_202, %while3A_207 : i32
    %while3A_209 = arith.constant 1 : i32
    scf.for %while3A_225 = %while3A_202 to %while3A_208 step %while3A_209  : i32 {
      %mul3A_226 = arith.constant 512 : i32
      %mul3A_227 = arith.muli %while3A_225, %mul3A_226 : i32
      %add3A_228 = arith.addi %multiple_of3A_136, %mul3A_227 : i32
      "tpu.region"() ({
        %run_scoped3A = tpu.sem_alloc : memref<!tpu.dma_semaphore, #tpu.memory_space<semaphore_mem>>
        %dma_start3A = arith.constant 0 : i32
        %dma_start3A_234 = tpu.memref_slice %arg10[%add3A_228, %dma_start3A] : memref<2098704x16xi32, #tpu.memory_space<hbm>> -> memref<512x16xi32, #tpu.memory_space<hbm>>
        %dma_start3A_235 = arith.constant 0 : i32
        %dma_start3A_236 = tpu.memref_slice %arg10[%add3A_228, %dma_start3A_235] : memref<2098704x16xi32, #tpu.memory_space<hbm>> -> memref<512x16xi32, #tpu.memory_space<hbm>>
        tpu.enqueue_dma source(%dma_start3A_236 : memref<512x16xi32, #tpu.memory_space<hbm>>) target(%arg20 : memref<512x16xi32, #tpu.memory_space<vmem>>) target_semaphore(%run_scoped3A : memref<!tpu.dma_semaphore, #tpu.memory_space<semaphore_mem>>)
        %dma_wait3A = arith.constant 0 : i32
        %dma_wait3A_237 = tpu.memref_slice %arg10[%add3A_228, %dma_wait3A] : memref<2098704x16xi32, #tpu.memory_space<hbm>> -> memref<512x16xi32, #tpu.memory_space<hbm>>
        %dma_wait3A_238 = arith.constant 0 : i32
        %dma_wait3A_239 = tpu.memref_slice %arg10[%add3A_228, %dma_wait3A_238] : memref<2098704x16xi32, #tpu.memory_space<hbm>> -> memref<512x16xi32, #tpu.memory_space<hbm>>
        tpu.wait_dma2 semaphore(%run_scoped3A : memref<!tpu.dma_semaphore, #tpu.memory_space<semaphore_mem>>) src(%dma_wait3A_239 : memref<512x16xi32, #tpu.memory_space<hbm>>) dst(%arg20 : memref<512x16xi32, #tpu.memory_space<vmem>>)
        tpu.yield
      }) : () -> ()
      %scan3A_229 = arith.constant 0 : i32
      %scan3A_230 = arith.constant 32 : i32
      %scan3A_231 = arith.addi %scan3A_229, %scan3A_230 : i32
      %scan3A_232 = arith.constant 1 : i32
      scf.for %scan3A_234 = %scan3A_229 to %scan3A_231 step %scan3A_232  : i32 {
        %mul3A_235 = arith.constant 16 : i32
        %mul3A_236 = arith.muli %scan3A_234, %mul3A_235 : i32
        %add3A_237 = vector.broadcast %mul3A_236 : i32 to vector<16xi32>
        %add3A_238 = arith.addi %add3A_237, %iota3A : vector<16xi32>
        %mul3A_239 = arith.constant 512 : i32
        %mul3A_240 = arith.muli %while3A_225, %mul3A_239 : i32
        %add3A_241 = vector.broadcast %mul3A_240 : i32 to vector<16xi32>
        %add3A_242 = arith.addi %add3A_241, %add3A_238 : vector<16xi32>
        %lt3A = vector.broadcast %reduce_max3A_150 : i32 to vector<16xi32>
        %lt3A_243 = arith.cmpi slt, %add3A_242, %lt3A : vector<16xi32>
        %gather3A = tpu.vector_load_idx %arg20[%add3A_238, %broadcast_in_dim3A_7] : memref<512x16xi32, #tpu.memory_space<vmem>>[vector<16xi32>, vector<16xi32>], vector<16xi32>,
        %and3A_244 = arith.constant 32767 : i32
        %and3A_245 = vector.broadcast %and3A_244 : i32 to vector<16xi32>
        %and3A_246 = arith.andi %gather3A, %and3A_245 : vector<16xi32>
        %gather3A_247 = tpu.vector_load_idx %arg20[%add3A_238, %add3A_10] : memref<512x16xi32, #tpu.memory_space<vmem>>[vector<16xi32>, vector<16xi32>], vector<16xi32>,
        %jit3A_248 = arith.constant -1 : i32
        %broadcast_in_dim3A_249 = vector.broadcast %jit3A_248 : i32 to vector<16xi32>
        %select_n3A_250 = arith.select %lt3A_243, %gather3A_247, %broadcast_in_dim3A_249 : vector<16xi1>, vector<16xi32>
        %gather3A_251 = tpu.vector_load_idx %arg20[%add3A_238, %add3A_13] : memref<512x16xi32, #tpu.memory_space<vmem>>[vector<16xi32>, vector<16xi32>], vector<16xi32>,
        %bitcast3A = vector.bitcast %gather3A_251 : vector<16xi32> to vector<16xf32>
        %gather3A_252 = tpu.vector_load_idx %arg20[%add3A_238, %add3A_16] : memref<512x16xi32, #tpu.memory_space<vmem>>[vector<16xi32>, vector<16xi32>], vector<16xi32>,
        %bitcast3A_253 = vector.bitcast %gather3A_252 : vector<16xi32> to vector<16xf32>
        %gather3A_254 = tpu.vector_load_idx %arg18[%and3A_246] : memref<32768xi32, #tpu.memory_space<vmem>>[vector<16xi32>], vector<16xi32>,
        %eq3A = arith.cmpi eq, %select_n3A_250, %gather3A_254 : vector<16xi32>
        %and3A_255 = arith.andi %eq3A, %lt3A_243 : vector<16xi1>
        %mul3A_256 = arith.constant 2 : i32
        %mul3A_257 = vector.broadcast %mul3A_256 : i32 to vector<16xi32>
        %mul3A_258 = arith.muli %and3A_246, %mul3A_257 : vector<16xi32>
        tpu.vector_store_idx %arg19[%mul3A_258], %bitcast3A masked %and3A_255 : memref<65536xf32, #tpu.memory_space<vmem>>[vector<16xi32>], vector<16xf32>, vector<16xi1>
        %mul3A_259 = arith.constant 2 : i32
        %mul3A_260 = vector.broadcast %mul3A_259 : i32 to vector<16xi32>
        %mul3A_261 = arith.muli %and3A_246, %mul3A_260 : vector<16xi32>
        %add3A_262 = arith.constant 1 : i32
        %add3A_263 = vector.broadcast %add3A_262 : i32 to vector<16xi32>
        %add3A_264 = arith.addi %mul3A_261, %add3A_263 : vector<16xi32>
        tpu.vector_store_idx %arg19[%add3A_264], %bitcast3A_253 masked %and3A_255 : memref<65536xf32, #tpu.memory_space<vmem>>[vector<16xi32>], vector<16xf32>, vector<16xi1>
      }
      %scan3A_233 = arith.constant 32 : i32
    }
    %while3A_210 = arith.constant 1 : i32
    scf.for %while3A_225 = %while3A_208 to %while3A_204 step %while3A_210  : i32 {
      %mul3A_226 = arith.constant 512 : i32
      %mul3A_227 = arith.muli %while3A_225, %mul3A_226 : i32
      %add3A_228 = arith.addi %multiple_of3A_136, %mul3A_227 : i32
      "tpu.region"() ({
        %run_scoped3A = tpu.sem_alloc : memref<!tpu.dma_semaphore, #tpu.memory_space<semaphore_mem>>
        %dma_start3A = arith.constant 0 : i32
        %dma_start3A_234 = tpu.memref_slice %arg10[%add3A_228, %dma_start3A] : memref<2098704x16xi32, #tpu.memory_space<hbm>> -> memref<512x16xi32, #tpu.memory_space<hbm>>
        %dma_start3A_235 = arith.constant 0 : i32
        %dma_start3A_236 = tpu.memref_slice %arg10[%add3A_228, %dma_start3A_235] : memref<2098704x16xi32, #tpu.memory_space<hbm>> -> memref<512x16xi32, #tpu.memory_space<hbm>>
        tpu.enqueue_dma source(%dma_start3A_236 : memref<512x16xi32, #tpu.memory_space<hbm>>) target(%arg20 : memref<512x16xi32, #tpu.memory_space<vmem>>) target_semaphore(%run_scoped3A : memref<!tpu.dma_semaphore, #tpu.memory_space<semaphore_mem>>)
        %dma_wait3A = arith.constant 0 : i32
        %dma_wait3A_237 = tpu.memref_slice %arg10[%add3A_228, %dma_wait3A] : memref<2098704x16xi32, #tpu.memory_space<hbm>> -> memref<512x16xi32, #tpu.memory_space<hbm>>
        %dma_wait3A_238 = arith.constant 0 : i32
        %dma_wait3A_239 = tpu.memref_slice %arg10[%add3A_228, %dma_wait3A_238] : memref<2098704x16xi32, #tpu.memory_space<hbm>> -> memref<512x16xi32, #tpu.memory_space<hbm>>
        tpu.wait_dma2 semaphore(%run_scoped3A : memref<!tpu.dma_semaphore, #tpu.memory_space<semaphore_mem>>) src(%dma_wait3A_239 : memref<512x16xi32, #tpu.memory_space<hbm>>) dst(%arg20 : memref<512x16xi32, #tpu.memory_space<vmem>>)
        tpu.yield
      }) : () -> ()
      %scan3A_229 = arith.constant 0 : i32
      %scan3A_230 = arith.constant 32 : i32
      %scan3A_231 = arith.addi %scan3A_229, %scan3A_230 : i32
      %scan3A_232 = arith.constant 1 : i32
      scf.for %scan3A_234 = %scan3A_229 to %scan3A_231 step %scan3A_232  : i32 {
        %mul3A_235 = arith.constant 16 : i32
        %mul3A_236 = arith.muli %scan3A_234, %mul3A_235 : i32
        %add3A_237 = vector.broadcast %mul3A_236 : i32 to vector<16xi32>
        %add3A_238 = arith.addi %add3A_237, %iota3A : vector<16xi32>
        %mul3A_239 = arith.constant 512 : i32
        %mul3A_240 = arith.muli %while3A_225, %mul3A_239 : i32
        %add3A_241 = vector.broadcast %mul3A_240 : i32 to vector<16xi32>
        %add3A_242 = arith.addi %add3A_241, %add3A_238 : vector<16xi32>
        %lt3A = vector.broadcast %reduce_max3A_150 : i32 to vector<16xi32>
        %lt3A_243 = arith.cmpi slt, %add3A_242, %lt3A : vector<16xi32>
        %gather3A = tpu.vector_load_idx %arg20[%add3A_238, %broadcast_in_dim3A_7] : memref<512x16xi32, #tpu.memory_space<vmem>>[vector<16xi32>, vector<16xi32>], vector<16xi32>,
        %and3A_244 = arith.constant 32767 : i32
        %and3A_245 = vector.broadcast %and3A_244 : i32 to vector<16xi32>
        %and3A_246 = arith.andi %gather3A, %and3A_245 : vector<16xi32>
        %gather3A_247 = tpu.vector_load_idx %arg20[%add3A_238, %add3A_10] : memref<512x16xi32, #tpu.memory_space<vmem>>[vector<16xi32>, vector<16xi32>], vector<16xi32>,
        %jit3A_248 = arith.constant -1 : i32
        %broadcast_in_dim3A_249 = vector.broadcast %jit3A_248 : i32 to vector<16xi32>
        %select_n3A_250 = arith.select %lt3A_243, %gather3A_247, %broadcast_in_dim3A_249 : vector<16xi1>, vector<16xi32>
        %gather3A_251 = tpu.vector_load_idx %arg20[%add3A_238, %add3A_13] : memref<512x16xi32, #tpu.memory_space<vmem>>[vector<16xi32>, vector<16xi32>], vector<16xi32>,
        %bitcast3A = vector.bitcast %gather3A_251 : vector<16xi32> to vector<16xf32>
        %gather3A_252 = tpu.vector_load_idx %arg20[%add3A_238, %add3A_16] : memref<512x16xi32, #tpu.memory_space<vmem>>[vector<16xi32>, vector<16xi32>], vector<16xi32>,
        %bitcast3A_253 = vector.bitcast %gather3A_252 : vector<16xi32> to vector<16xf32>
        %gather3A_254 = tpu.vector_load_idx %arg18[%and3A_246] : memref<32768xi32, #tpu.memory_space<vmem>>[vector<16xi32>], vector<16xi32>,
        %eq3A = arith.cmpi eq, %select_n3A_250, %gather3A_254 : vector<16xi32>
        %and3A_255 = arith.andi %eq3A, %lt3A_243 : vector<16xi1>
        %mul3A_256 = arith.constant 2 : i32
        %mul3A_257 = vector.broadcast %mul3A_256 : i32 to vector<16xi32>
        %mul3A_258 = arith.muli %and3A_246, %mul3A_257 : vector<16xi32>
        tpu.vector_store_idx %arg19[%mul3A_258], %bitcast3A masked %and3A_255 : memref<65536xf32, #tpu.memory_space<vmem>>[vector<16xi32>], vector<16xf32>, vector<16xi1>
        %mul3A_259 = arith.constant 2 : i32
        %mul3A_260 = vector.broadcast %mul3A_259 : i32 to vector<16xi32>
        %mul3A_261 = arith.muli %and3A_246, %mul3A_260 : vector<16xi32>
        %add3A_262 = arith.constant 1 : i32
        %add3A_263 = vector.broadcast %add3A_262 : i32 to vector<16xi32>
        %add3A_264 = arith.addi %mul3A_261, %add3A_263 : vector<16xi32>
        tpu.vector_store_idx %arg19[%add3A_264], %bitcast3A_253 masked %and3A_255 : memref<65536xf32, #tpu.memory_space<vmem>>[vector<16xi32>], vector<16xf32>, vector<16xi1>
      }
      %scan3A_233 = arith.constant 32 : i32
    }
    %mul3A_211 = arith.constant 1048576 : i32
    %mul3A_212 = arith.muli %arg0, %mul3A_211 : i32
    %mul3A_213 = arith.constant 32768 : i32
    %mul3A_214 = arith.muli %add3A_121, %mul3A_213 : i32
    %add3A_215 = arith.addi %mul3A_212, %mul3A_214 : i32
    "tpu.region"() ({
      %run_scoped3A = tpu.sem_alloc : memref<!tpu.dma_semaphore, #tpu.memory_space<semaphore_mem>>
      %dma_start3A = tpu.memref_slice %arg8[%add3A_215] : memref<2097152xi32, #tpu.memory_space<hbm>> -> memref<32768xi32, #tpu.memory_space<hbm>>
      %dma_start3A_225 = tpu.memref_slice %arg8[%add3A_215] : memref<2097152xi32, #tpu.memory_space<hbm>> -> memref<32768xi32, #tpu.memory_space<hbm>>
      tpu.enqueue_dma source(%arg18 : memref<32768xi32, #tpu.memory_space<vmem>>) target(%dma_start3A_225 : memref<32768xi32, #tpu.memory_space<hbm>>) target_semaphore(%run_scoped3A : memref<!tpu.dma_semaphore, #tpu.memory_space<semaphore_mem>>)
      %dma_wait3A = tpu.memref_slice %arg8[%add3A_215] : memref<2097152xi32, #tpu.memory_space<hbm>> -> memref<32768xi32, #tpu.memory_space<hbm>>
      %dma_wait3A_226 = tpu.memref_slice %arg8[%add3A_215] : memref<2097152xi32, #tpu.memory_space<hbm>> -> memref<32768xi32, #tpu.memory_space<hbm>>
      tpu.wait_dma2 semaphore(%run_scoped3A : memref<!tpu.dma_semaphore, #tpu.memory_space<semaphore_mem>>) src(%arg18 : memref<32768xi32, #tpu.memory_space<vmem>>) dst(%dma_wait3A_226 : memref<32768xi32, #tpu.memory_space<hbm>>)
      tpu.yield
    }) : () -> ()
    %mul3A_216 = arith.constant 2 : i32
    %mul3A_217 = arith.muli %mul3A_216, %arg0 : i32
    %mul3A_218 = arith.constant 1048576 : i32
    %mul3A_219 = arith.muli %mul3A_217, %mul3A_218 : i32
    %mul3A_220 = arith.constant 2 : i32
    %mul3A_221 = arith.muli %add3A_121, %mul3A_220 : i32
    %mul3A_222 = arith.constant 32768 : i32
    %mul3A_223 = arith.muli %mul3A_221, %mul3A_222 : i32
    %add3A_224 = arith.addi %mul3A_219, %mul3A_223 : i32
    "tpu.region"() ({
      %run_scoped3A = tpu.sem_alloc : memref<!tpu.dma_semaphore, #tpu.memory_space<semaphore_mem>>
      %dma_start3A = tpu.memref_slice %arg9[%add3A_224] : memref<4194304xf32, #tpu.memory_space<hbm>> -> memref<65536xf32, #tpu.memory_space<hbm>>
      %dma_start3A_225 = tpu.memref_slice %arg9[%add3A_224] : memref<4194304xf32, #tpu.memory_space<hbm>> -> memref<65536xf32, #tpu.memory_space<hbm>>
      tpu.enqueue_dma source(%arg19 : memref<65536xf32, #tpu.memory_space<vmem>>) target(%dma_start3A_225 : memref<65536xf32, #tpu.memory_space<hbm>>) target_semaphore(%run_scoped3A : memref<!tpu.dma_semaphore, #tpu.memory_space<semaphore_mem>>)
      %dma_wait3A = tpu.memref_slice %arg9[%add3A_224] : memref<4194304xf32, #tpu.memory_space<hbm>> -> memref<65536xf32, #tpu.memory_space<hbm>>
      %dma_wait3A_226 = tpu.memref_slice %arg9[%add3A_224] : memref<4194304xf32, #tpu.memory_space<hbm>> -> memref<65536xf32, #tpu.memory_space<hbm>>
      tpu.wait_dma2 semaphore(%run_scoped3A : memref<!tpu.dma_semaphore, #tpu.memory_space<semaphore_mem>>) src(%arg19 : memref<65536xf32, #tpu.memory_space<vmem>>) dst(%dma_wait3A_226 : memref<65536xf32, #tpu.memory_space<hbm>>)
      tpu.yield
    }) : () -> ()
    return
  }
}

#map = affine_map<(d0, d1) -> (0)>
#map1 = affine_map<(d0, d1) -> (0, 0)>
module attributes {stable_mosaic.version = 14 : i64} {
  func.func @phase_a(%arg0: i32, %arg1: i32, %arg2: memref<2097152xi32, #tpu.memory_space<hbm>>, %arg3: memref<2097152xi32, #tpu.memory_space<hbm>>, %arg4: memref<32x528xi32, #tpu.memory_space<hbm>>, %arg5: memref<528xi32, #tpu.memory_space<vmem>>, %arg6: memref<2048xi32, #tpu.memory_space<vmem>>, %arg7: memref<2048xi32, #tpu.memory_space<vmem>>) attributes {dimension_semantics = [#tpu.dimension_semantics<core_parallel>, #tpu.dimension_semantics<subcore_parallel>], iteration_bounds = array<i64: 2, 16>, scalar_prefetch = 0 : i64, scratch_operands = 3 : i64, tpu.core_type = #tpu.core_type<sc_vector_subcore>, window_params = [{transform_indices = #map}, {transform_indices = #map}, {transform_indices = #map1}]} {
    %mul3A = arith.constant 16 : i32
    %mul3A_0 = arith.muli %arg0, %mul3A : i32
    %add3A = arith.addi %mul3A_0, %arg1 : i32
    %iota3A = tpu.iota {dimensions = array<i32: 0>} : vector<16xi32>
    %broadcast_in_dim3A = arith.constant 0 : i32
    %broadcast_in_dim3A_1 = vector.broadcast %broadcast_in_dim3A : i32 to vector<16xi32>
    %scan3A = arith.constant 0 : i32
    %scan3A_2 = arith.constant 0 : i32
    %scan3A_3 = arith.constant 33 : i32
    %scan3A_4 = arith.addi %scan3A_2, %scan3A_3 : i32
    %scan3A_5 = arith.constant 1 : i32
    scf.for %scan3A_13 = %scan3A_2 to %scan3A_4 step %scan3A_5  : i32 {
      %mul3A_14 = arith.constant 16 : i32
      %mul3A_15 = arith.muli %scan3A_13, %mul3A_14 : i32
      %swap3A = arith.index_cast %mul3A_15 : i32 to index
      %swap3A_16 = tpu.vector_load %arg5[%swap3A] {strides = array<i32>} : memref<528xi32, #tpu.memory_space<vmem>>, vector<16xi32>,
      tpu.vector_store %arg5[%swap3A], %broadcast_in_dim3A_1 {strides = array<i32>} : memref<528xi32, #tpu.memory_space<vmem>>, vector<16xi32>,
    }
    %scan3A_6 = arith.constant 33 : i32
    %scan3A_7 = arith.constant 0 : i32
    %scan3A_8 = arith.constant 0 : i32
    %scan3A_9 = arith.constant 32 : i32
    %scan3A_10 = arith.addi %scan3A_8, %scan3A_9 : i32
    %scan3A_11 = arith.constant 1 : i32
    scf.for %scan3A_13 = %scan3A_8 to %scan3A_10 step %scan3A_11  : i32 {
      %mul3A_14 = arith.constant 65536 : i32
      %mul3A_15 = arith.muli %add3A, %mul3A_14 : i32
      %mul3A_16 = arith.constant 2048 : i32
      %mul3A_17 = arith.muli %scan3A_13, %mul3A_16 : i32
      %add3A_18 = arith.addi %mul3A_15, %mul3A_17 : i32
      "tpu.region"() ({
        %run_scoped3A = tpu.sem_alloc : memref<!tpu.dma_semaphore, #tpu.memory_space<semaphore_mem>>
        %dma_start3A = tpu.memref_slice %arg2[%add3A_18] : memref<2097152xi32, #tpu.memory_space<hbm>> -> memref<2048xi32, #tpu.memory_space<hbm>>
        %dma_start3A_24 = tpu.memref_slice %arg2[%add3A_18] : memref<2097152xi32, #tpu.memory_space<hbm>> -> memref<2048xi32, #tpu.memory_space<hbm>>
        tpu.enqueue_dma source(%dma_start3A_24 : memref<2048xi32, #tpu.memory_space<hbm>>) target(%arg6 : memref<2048xi32, #tpu.memory_space<vmem>>) target_semaphore(%run_scoped3A : memref<!tpu.dma_semaphore, #tpu.memory_space<semaphore_mem>>)
        %dma_wait3A = tpu.memref_slice %arg2[%add3A_18] : memref<2097152xi32, #tpu.memory_space<hbm>> -> memref<2048xi32, #tpu.memory_space<hbm>>
        %dma_wait3A_25 = tpu.memref_slice %arg2[%add3A_18] : memref<2097152xi32, #tpu.memory_space<hbm>> -> memref<2048xi32, #tpu.memory_space<hbm>>
        tpu.wait_dma2 semaphore(%run_scoped3A : memref<!tpu.dma_semaphore, #tpu.memory_space<semaphore_mem>>) src(%dma_wait3A_25 : memref<2048xi32, #tpu.memory_space<hbm>>) dst(%arg6 : memref<2048xi32, #tpu.memory_space<vmem>>)
        tpu.yield
      }) : () -> ()
      "tpu.region"() ({
        %run_scoped3A = tpu.sem_alloc : memref<!tpu.dma_semaphore, #tpu.memory_space<semaphore_mem>>
        %dma_start3A = tpu.memref_slice %arg3[%add3A_18] : memref<2097152xi32, #tpu.memory_space<hbm>> -> memref<2048xi32, #tpu.memory_space<hbm>>
        %dma_start3A_24 = tpu.memref_slice %arg3[%add3A_18] : memref<2097152xi32, #tpu.memory_space<hbm>> -> memref<2048xi32, #tpu.memory_space<hbm>>
        tpu.enqueue_dma source(%dma_start3A_24 : memref<2048xi32, #tpu.memory_space<hbm>>) target(%arg7 : memref<2048xi32, #tpu.memory_space<vmem>>) target_semaphore(%run_scoped3A : memref<!tpu.dma_semaphore, #tpu.memory_space<semaphore_mem>>)
        %dma_wait3A = tpu.memref_slice %arg3[%add3A_18] : memref<2097152xi32, #tpu.memory_space<hbm>> -> memref<2048xi32, #tpu.memory_space<hbm>>
        %dma_wait3A_25 = tpu.memref_slice %arg3[%add3A_18] : memref<2097152xi32, #tpu.memory_space<hbm>> -> memref<2048xi32, #tpu.memory_space<hbm>>
        tpu.wait_dma2 semaphore(%run_scoped3A : memref<!tpu.dma_semaphore, #tpu.memory_space<semaphore_mem>>) src(%dma_wait3A_25 : memref<2048xi32, #tpu.memory_space<hbm>>) dst(%arg7 : memref<2048xi32, #tpu.memory_space<vmem>>)
        tpu.yield
      }) : () -> ()
      %scan3A_19 = arith.constant 0 : i32
      %scan3A_20 = arith.constant 128 : i32
      %scan3A_21 = arith.addi %scan3A_19, %scan3A_20 : i32
      %scan3A_22 = arith.constant 1 : i32
      scf.for %scan3A_24 = %scan3A_19 to %scan3A_21 step %scan3A_22  : i32 {
        %mul3A_25 = arith.constant 16 : i32
        %mul3A_26 = arith.muli %scan3A_24, %mul3A_25 : i32
        %get3A = arith.index_cast %mul3A_26 : i32 to index
        %get3A_27 = tpu.vector_load %arg6[%get3A] {strides = array<i32>} : memref<2048xi32, #tpu.memory_space<vmem>>, vector<16xi32>,
        %mul3A_28 = arith.constant 16 : i32
        %mul3A_29 = arith.muli %scan3A_24, %mul3A_28 : i32
        %get3A_30 = arith.index_cast %mul3A_29 : i32 to index
        %get3A_31 = tpu.vector_load %arg7[%get3A_30] {strides = array<i32>} : memref<2048xi32, #tpu.memory_space<vmem>>, vector<16xi32>,
        %mul3A_32 = arith.constant 512 : i32
        %mul3A_33 = vector.broadcast %mul3A_32 : i32 to vector<16xi32>
        %mul3A_34 = arith.muli %get3A_27, %mul3A_33 : vector<16xi32>
        %add3A_35 = arith.addi %mul3A_34, %get3A_31 : vector<16xi32>
        %shift_right_arithmetic3A = arith.constant 6 : i32
        %shift_right_arithmetic3A_36 = vector.broadcast %shift_right_arithmetic3A : i32 to vector<16xi32>
        %shift_right_arithmetic3A_37 = arith.shrsi %add3A_35, %shift_right_arithmetic3A_36 : vector<16xi32>
        %mul3A_38 = arith.constant 33 : i32
        %mul3A_39 = vector.broadcast %mul3A_38 : i32 to vector<16xi32>
        %mul3A_40 = arith.muli %iota3A, %mul3A_39 : vector<16xi32>
        %add3A_41 = arith.addi %mul3A_40, %shift_right_arithmetic3A_37 : vector<16xi32>
        %gather3A = tpu.vector_load_idx %arg5[%add3A_41] : memref<528xi32, #tpu.memory_space<vmem>>[vector<16xi32>], vector<16xi32>,
        %add3A_42 = arith.constant 1 : i32
        %add3A_43 = vector.broadcast %add3A_42 : i32 to vector<16xi32>
        %add3A_44 = arith.addi %gather3A, %add3A_43 : vector<16xi32>
        tpu.vector_store_idx %arg5[%add3A_41], %add3A_44 : memref<528xi32, #tpu.memory_space<vmem>>[vector<16xi32>], vector<16xi32>,
      }
      %scan3A_23 = arith.constant 128 : i32
    }
    %scan3A_12 = arith.constant 32 : i32
    "tpu.region"() ({
      %run_scoped3A = tpu.sem_alloc : memref<!tpu.dma_semaphore, #tpu.memory_space<semaphore_mem>>
      %dma_start3A = arith.constant 0 : i32
      %dma_start3A_13 = tpu.memref_slice %arg4[%add3A, %dma_start3A] : memref<32x528xi32, #tpu.memory_space<hbm>> -> memref<1x528xi32, #tpu.memory_space<hbm>>
      %dma_start3A_14 = tpu.memref_squeeze %dma_start3A_13 : memref<1x528xi32, #tpu.memory_space<hbm>> -> memref<528xi32, #tpu.memory_space<hbm>>
      %dma_start3A_15 = arith.constant 0 : i32
      %dma_start3A_16 = tpu.memref_slice %arg4[%add3A, %dma_start3A_15] : memref<32x528xi32, #tpu.memory_space<hbm>> -> memref<1x528xi32, #tpu.memory_space<hbm>>
      %dma_start3A_17 = tpu.memref_squeeze %dma_start3A_16 : memref<1x528xi32, #tpu.memory_space<hbm>> -> memref<528xi32, #tpu.memory_space<hbm>>
      tpu.enqueue_dma source(%arg5 : memref<528xi32, #tpu.memory_space<vmem>>) target(%dma_start3A_17 : memref<528xi32, #tpu.memory_space<hbm>>) target_semaphore(%run_scoped3A : memref<!tpu.dma_semaphore, #tpu.memory_space<semaphore_mem>>)
      %dma_wait3A = arith.constant 0 : i32
      %dma_wait3A_18 = tpu.memref_slice %arg4[%add3A, %dma_wait3A] : memref<32x528xi32, #tpu.memory_space<hbm>> -> memref<1x528xi32, #tpu.memory_space<hbm>>
      %dma_wait3A_19 = tpu.memref_squeeze %dma_wait3A_18 : memref<1x528xi32, #tpu.memory_space<hbm>> -> memref<528xi32, #tpu.memory_space<hbm>>
      %dma_wait3A_20 = arith.constant 0 : i32
      %dma_wait3A_21 = tpu.memref_slice %arg4[%add3A, %dma_wait3A_20] : memref<32x528xi32, #tpu.memory_space<hbm>> -> memref<1x528xi32, #tpu.memory_space<hbm>>
      %dma_wait3A_22 = tpu.memref_squeeze %dma_wait3A_21 : memref<1x528xi32, #tpu.memory_space<hbm>> -> memref<528xi32, #tpu.memory_space<hbm>>
      tpu.wait_dma2 semaphore(%run_scoped3A : memref<!tpu.dma_semaphore, #tpu.memory_space<semaphore_mem>>) src(%arg5 : memref<528xi32, #tpu.memory_space<vmem>>) dst(%dma_wait3A_22 : memref<528xi32, #tpu.memory_space<hbm>>)
      tpu.yield
    }) : () -> ()
    return
  }
}

</mosaic_0001>

<sc_bundles>
// kernel: kernel.11.cloned.1.call-start
scs
__scs_entry_jumppad:
0x0: {  	(pc) =	sbr.rel $0x88, $3  }
0x1: {  	(tag) =	ssettag $0x0;
	lr =	simm.s32 $0x1  }
0x2: {  	[smem:$0x3F9D] =	sst lr;
	_ =	strace $0xD0000000  }
0x3: {  	_ = 	snop  }
0x4: {  	_ = 	snop  }
0x5: {  	_ = 	snop  }
0x6: {  	_ = 	snop  }
0x7: {  	_ = 	snop  }
__scs_overlays_trampoline_lowered:
0x8: {  	[smem:$0x3FAC] =	sst s0  }
0x9: {  	[smem:$0x3FAD] =	sst s1  }
0xa: {  	[smem:$0x3FAE] =	sst s2  }
0xb: {  	[smem:$0x3FAF] =	sst s3  }
0xc: {  	[smem:$0x3FB0] =	sst s4  }
0xd: {  	[smem:$0x3FB1] =	sst s5  }
0xe: {  	[smem:$0x3FB2] =	sst s6  }
0xf: {  	[smem:$0x3FB3] =	sst s7  }
0x10: {  	[smem:$0x3FB4] =	sst s8  }
0x11: {  	[smem:$0x3FB5] =	sst s9;
	s0 =	simm.s32 @!p0 $0x0  }
0x12: {  	s1 =	sld [smem:$0x3F9B];
	s0 =	simm.s32 @p0 $0x1  }
0x13: {  	[smem:$0x3FB6] =	sst s0;
	s0 =	simm.s32 @!p1 $0x0  }
0x14: {  	s2 =	sld [smem:$0x3F9A];
	s0 =	simm.s32 @p1 $0x1  }
0x15: {  	[smem:$0x3FB7] =	sst s0;
	s0 =	simm.s32 @!p2 $0x0  }
0x16: {  	s3 =	sld [smem:$0x3FDB];
	s0 =	simm.s32 @p2 $0x1  }
0x17: {  	s4 =	simm.s32 $0x1BF5;
	[smem:$0x3FB9] =	sst s0  }
0x18: {  	s0 =	sld [smem:$0x3F9C];
	_ =	swait.ge [sflag:s4], $0x0  }
0x19: {  	s7 =	sld [smem:$0x3F9D]  }
0x1a: {  	s8 =	sadd.s32 $0xFFFFE003, lr  }
0x1b: {  	s9 =	sadd.s32 $0xFFFFFEF7, lr;
	s5 =	simm.s32 $0xFFFFFFFF;
	p2 =	slt.u32 s8, $0xFFFFF086  }
0x1c: {  	p1 =	slt.u32 s9, $0xF7A;
	s5 =	simm.s32 @!p2 $0x0  }
0x1d: {  	s5 =	simm.s32 @p1 $0x1;
	p0 =	seq.s32 s7, s2  }
0x1e: {  	s7 =	smul.u32 @!p0 $0xF7A, s2;
	p2 =	seq.s32 @!p0 s5, $0x0  }
0x1f: {  	s9 =	smul.u32 $0xF7A, s1;
	s8 =	simm.s32 @!p0 $0x1BF5;
	p2 =	por !p2, p0  }
0x20: {  	[sflag:s8] =	ssyncset.s32 @!p0 $0xFFFFF086;
	s6 =	sadd.s32 @!p0 s3, s7;
	s7 =	simm.s32 @!p0 $0x108  }
0x21: {  	s3 =	sadd.s32 s3, s9;
	s6 =	sadd.s32 @!p0 $0x88, s6;
	s7 =	simm.s32 @p2 $0x1082  }
0x22: {  	[simem:s7], [sflag:s8] =	dma.local @!p0 [hbm:s6], $0xF7A  }
0x23: {  	s9 =	sor.u32 $0xD0000000, s2;
	s6 =	simm.s32 $0x108;
	_ =	swait.ge @!p0 [sflag:s8], $0x0  }
0x24: {  	s3 =	sadd.s32 $0x88, s3;
	s6 =	simm.s32 @!p1 $0x1082;
	[sflag:s4] =	ssyncset.s32 $0xFFFFF086  }
0x25: {  	[simem:s6], [sflag:s4] =	dma.local [hbm:s3], $0xF7A  }
0x26: {  	[smem:$0x3F9D] =	sst s1;
	(tag) =	ssettag s2;
	_ =	strace s9  }
0x27: {  	s1 =	sld [smem:$0x3FAD]  }
0x28: {  	s2 =	sld [smem:$0x3FAE]  }
0x29: {  	s4 =	sld [smem:$0x3FB0]  }
0x2a: {  	p0 =	seq.s32 s5, $0x0;
	s5 =	sld [smem:$0x3FB1]  }
0x2b: {  	s6 =	sld [smem:$0x3FB2]  }
0x2c: {  	s7 =	sld [smem:$0x3FB3]  }
0x2d: {  	s3 =	simm.s32 $0x108;
	s8 =	sld [smem:$0x3FB4]  }
0x2e: {  	s3 =	simm.s32 @!p0 $0x1082;
	s9 =	sld [smem:$0x3FB5]  }
0x2f: {  	lr =	sadd.s32 s0, s3;
	s0 =	sld [smem:$0x3FAC]  }
0x30: {  	s3 =	sld [smem:$0x3FAF]  }
0x31: {  	[smem:$0x3FB8] =	sst s10  }
0x32: {  	s10 =	sld [smem:$0x3FB6];
	_ =	sdelay $0x3  }
0x33: {  	p0 =	seq.s32 s10, $0x1;
	s10 =	sld [smem:$0x3FB8];
	_ =	sdelay $0x3  }
0x34: {  	[smem:$0x3FB8] =	sst s10  }
0x35: {  	s10 =	sld [smem:$0x3FB7];
	_ =	sdelay $0x3  }
0x36: {  	p1 =	seq.s32 s10, $0x1;
	s10 =	sld [smem:$0x3FB8];
	_ =	sdelay $0x3  }
0x37: {  	[smem:$0x3FB8] =	sst s10  }
0x38: {  	s10 =	sld [smem:$0x3FB9]  }
0x39: {  	_ = 	snop;
	(pc) =	sbr.ind lr, $3  }
0x3a: {  	_ = 	snop  }
0x3b: {  	_ = 	snop  }
0x3c: {  	p2 =	seq.s32 s10, $0x1;
	s10 =	sld [smem:$0x3FB8]  }
0x3d: {  	_ =	shalt  }
0x3e: {  	_ =	shalt  }
0x3f: {  	_ =	shalt  }
0x40: {  	_ =	shalt  }
0x41: {  	_ =	shalt  }
0x42: {  	_ =	shalt  }
0x43: {  	_ =	shalt  }
0x44: {  	_ =	shalt  }
0x45: {  	_ =	shalt  }
0x46: {  	_ =	shalt  }
0x47: {  	_ =	shalt  }
0x48: {  	_ =	shalt  }
0x49: {  	_ =	shalt  }
0x4a: {  	_ =	shalt  }
0x4b: {  	_ =	shalt  }
0x4c: {  	_ =	shalt  }
0x4d: {  	_ =	shalt  }
0x4e: {  	_ =	shalt  }
0x4f: {  	_ =	shalt  }
0x50: {  	_ =	shalt  }
0x51: {  	_ =	shalt  }
0x52: {  	_ =	shalt  }
0x53: {  	_ =	shalt  }
0x54: {  	_ =	shalt  }
0x55: {  	_ =	shalt  }
0x56: {  	_ =	shalt  }
0x57: {  	_ =	shalt  }
0x58: {  	_ =	shalt  }
0x59: {  	_ =	shalt  }
0x5a: {  	_ =	shalt  }
0x5b: {  	_ =	shalt  }
0x5c: {  	_ =	shalt  }
0x5d: {  	_ =	shalt  }
0x5e: {  	_ =	shalt  }
0x5f: {  	_ =	shalt  }
0x60: {  	_ =	shalt  }
0x61: {  	_ =	shalt  }
0x62: {  	_ =	shalt  }
0x63: {  	_ =	shalt  }
0x64: {  	_ =	shalt  }
0x65: {  	_ =	shalt  }
0x66: {  	_ =	shalt  }
0x67: {  	_ =	shalt  }
0x68: {  	_ =	shalt  }
0x69: {  	_ =	shalt  }
0x6a: {  	_ =	shalt  }
0x6b: {  	_ =	shalt  }
0x6c: {  	_ =	shalt  }
0x6d: {  	_ =	shalt  }
0x6e: {  	_ =	shalt  }
0x6f: {  	_ =	shalt  }
0x70: {  	_ =	shalt  }
0x71: {  	_ =	shalt  }
0x72: {  	_ =	shalt  }
0x73: {  	_ =	shalt  }
0x74: {  	_ =	shalt  }
0x75: {  	_ =	shalt  }
0x76: {  	_ =	shalt  }
0x77: {  	_ =	shalt  }
0x78: {  	_ =	shalt  }
0x79: {  	_ =	shalt  }
0x7a: {  	_ =	shalt  }
0x7b: {  	_ =	shalt  }
0x7c: {  	_ =	shalt  }
0x7d: {  	_ =	shalt  }
0x7e: {  	_ =	shalt  }
0x7f: {  	_ =	shalt  }
0x80: {  	_ =	shalt  }
0x81: {  	_ =	shalt  }
0x82: {  	_ =	shalt  }
0x83: {  	_ =	shalt  }
0x84: {  	_ =	shalt  }
0x85: {  	_ =	shalt  }
0x86: {  	_ =	shalt  }
0x87: {  	_ =	shalt  }
.Lfunc_end0:
.L_simem_size_0:
called_computation.2_lowered:
.L_overlay_start_0:
0x88: {  	s2 =	sld [smem:$0x3FD9]  }
0x89: {  	s3 =	sld [smem:$0x3FFE];
	_ =	sdelay $0x1  }
0x8a: {  	s1 =	srdreg.scid  }
0x8b: {  	s0 =	sand.u32 $0x1, s1  }
0x8c: {  	s17 =	sshll.u32 s0, $0xA;
	s2 =	sadd.s32 s3, s2  }
0x8d: {  	s2 =	sadd.s32 s2, s17  }
0x8e: {  	[smem:$0x3FC4] =	sst s2  }
0x8f: {  	_ = 	snop  }
0x90: {  	s2 =	sld [smem:$0x3FD0];
	(tm) =	ssettm $0x1  }
0x91: {  	s18 =	sld [smem:$0x3FFB];
	_ =	sdelay $0x3  }
0x92: {  	_ =	strace s18  }
0x93: {  	s3 =	sld [smem:$0x3FFC];
	_ =	sdelay $0x3  }
0x94: {  	_ =	strace s3  }
0x95: {  	s3 =	sld [smem:$0x3FFD];
	_ =	sdelay $0x3  }
0x96: {  	_ =	strace s3  }
0x97: {  	_ =	strace $0x8FFFFFFF  }
0x98: {  	s19 =	sld [smem:$0x3FDB];
	_ =	sdelay $0x1  }
0x99: {  	s4 =	simm.s32 $_scs_section_size  }
0x9a: {  	s5 =	simm.s32 $_size__tile_overlayer_lowered;
	s6 =	simm.s32 $_tile_overlayer_lowered  }
0x9b: {  	s22 =	simm.s32 $0x1BFF;
	s21 =	sshll.u32 s6, $0x1;
	s3 =	sadd.s32 s4, s19  }
0x9c: {  	s7 =	simm.s32 $0x0;
	s20 =	sshll.u32 s5, $0x1;
	s5 =	sadd.s32 s21, s3  }
0x9d: {  	[timem:s7], [sflag:s22] =	dma.local [hbm:s5], s20  }
0x9e: {  	_ =	swait.ge [sflag:s22], s20  }
0x9f: {  	s4 =	ssub.s32 $0x0, s20;
	[sflag:s22] =	ssyncset.done $0x0  }
0xa0: {  	[sflag:s22] =	ssyncadd.s32 s4;
	_ =	sdelay $0x1  }
0xa1: {  	s23 =	simm.s32 $0x1B8B  }
0xa2: {  	_ =	swait.ge [sflag:s23], $0x1  }
0xa3: {  	[sflag:s23] =	ssyncset.done $0x0  }
0xa4: {  	s25 =	simm.s32 $0x1B8E;
	s24 =	sld [smem:$0x3FFE];
	[sflag:s23] =	ssyncadd.s32 $0xFFFFFFFF  }
0xa5: {  	s26 =	simm.s32 $execute0_lowered;
	[smem:$0x3FD2] =	sst s25  }
0xa6: {  	s5 =	sshll.u32 s26, $0x1;
	_ =	strace $0x8000004C;
	[dreg:$0x1] =	wrdreg $0xFFFFFFFF  }
0xa7: {  	s28 =	simm.s32 $_size_execute0_lowered;
	s3 =	sadd.s32 s3, s5;
	[dreg:$0x0] =	wrdreg $0x0  }
0xa8: {  	s5 =	sshll.u32 s28, $0x1;
	[dreg:$0x2] =	wrdreg s3  }
0xa9: {  	[dreg:$0x3] =	wrdreg s5  }
0xaa: {  	[dreg:$0x4] =	wrdreg $0xC0  }
0xab: {  	_ =	task [dreg:s7], $0x5FFFF  }
0xac: {  	[dreg:$0x1] =	wrdreg $0xFFFFFFFF  }
0xad: {  	[dreg:$0x0] =	wrdreg $0x60  }
0xae: {  	[dreg:$0x2] =	wrdreg s24  }
0xaf: {  	[dreg:$0x3] =	wrdreg s2  }
0xb0: {  	[dreg:$0x4] =	wrdreg $0x9  }
0xb1: {  	_ =	task.clear_ibuf [dreg:s7], $0x5FFFF;
	_ =	strace $0x9000004C  }
0xb2: {  	s29 =	simm.s32 $0x9;
	_ =	strace $0x8000004E  }
0xb3: {  	_ =	swait.ge [sflag:s29], $0x1  }
0xb4: {  	[sflag:s29] =	ssyncadd.s32 $0xFFFFFFFF  }
0xb5: {  	_ =	strace $0x9000004E  }
0xb6: {  	_ =	sfence  }
0xb7: {  	s30 =	sld [smem:$0x0];
	_ =	sdelay $0x2  }
0xb8: {  	s31 =	sshll.u32 s1, $0xD;
	s1 =	sshrl.u32 s1, $0x2  }
0xb9: {  	s3 =	sand.u32 $0x4000, s31;
	s1 =	sadd.s32 s1, s30  }
0xba: {  	s0 =	sor.u32 s3, s0;
	s1 =	sshll.u32 s1, $0x11  }
0xbb: {  	s0 =	sor.u32 s1, s0  }
0xbc: {  	s0 =	sadd.s32 $0x8F2B, s0  }
0xbd: {  	[sflag:s0] =	ssyncadd.remote.s32 $0x1  }
0xbe: {  	_ =	sfence.sel $0xFFFF  }
0xbf: {  	[dreg:$0x0] =	wrdreg $0xFFFFFFFF;
	(pc) =	sbr.abs _section_cstart, $3  }
0xc0: {  	[dreg:$0x1] =	wrdreg $0xFFFFFFFF  }
0xc1: {  	_ =	task.clear_ibuf [dreg:s7], $0x2FFFF;
	_ =	strace $0x9FFFFFFF  }
0xc2: {  	(tm) =	ssettm $0x7FFFFFFF  }
0xc3: {  	_ =	shalt  }
tec
execute0_lowered:
.L_overlay_start_1:
0x0: {  	(tag) =	ssettag $0x1  }
0x1: {  	s8 =	rddreg [dreg:$0x0]  }
0x2: {  	s1 =	rddreg [dreg:$0x1]  }
0x3: {  	s0 =	rddreg [dreg:$0x2];
	s2 =	simm.s32 $0x0  }
0x4: {  	s3 =	srdreg.scid;
	s10 =	simm.s32 $0x1;
	s11 =	simm.s32 $0x1000  }
0x5: {  	s12 =	simm.s32 $0x2000;
	s13 =	simm.s32 $0x3000;
	s14 =	simm.s32 $0x0  }
0x6: {  	[smem:$0x7FF] =	sst s2;
	s6 =	sand.u32 $0x1, s3;
	s4 =	sadd.s32 $0x100C00, s8  }
0x7: {  	s5 =	sadd.s32 $0x140C00, s8;
	s3 =	stileid.u32;
	s7 =	ssub.s32 $0x2, s6  }
0x8: {  	s6 =	sshll.u32 s6, $0x13;
	s31 =	sshll.u32 s3, $0xF;
	s9 =	sshrl.u32 s7, $0x1  }
0x9: {  	v0 =	vlaneseq.u32;
	_ =	strace $0x8000004D;
	s6 =	sor.u32 s31, s6;
	s9 =	ssub.s32 s7, s9  }
0xa: {  	v0 =	vmul.u32 $0x2, v0;
	s7 =	sadd.s32 $0x120C00, s8;
	s8 =	sadd.s32 $0x180C00, s8;
	s9 =	smax.u32 s9, $0x1  }
.LBB2_1:
0xb: {  	s15 =	simm.s32 $0x0  }
.LBB2_2:
0xc: {  	s16 =	sshll.u32 s15, $0xB  }
0xd: {  	s16 =	sadd.s32 s6, s16  }
0xe: {  	s18 =	sshrl.u32 s16, $0x3  }
0xf: {  	s17 =	simm.s32 $0x0;
	s19 =	sadd.s32 s4, s18  }
0x10: {  	[tilespmem:s17], [sflag:$0x1] =	stream.linear.gather [hbm4b:s19+s17], $0x800, $0x38;
	[tilespmem:$0x4000] =	vst v63  }
0x11: {  	_ =	swait.ge [sflag:s10], $0x800  }
0x12: {  	[sflag:s10] =	ssyncset.done $0x0  }
0x13: {  	s28 =	sadd.s32 s18, s7;
	s18 =	simm.s32 $0x800;
	[sflag:s10] =	ssyncadd.s32 $0xFFFFF800  }
0x14: {  	[tilespmem:s18], [sflag:$0x1] =	stream.linear.gather [hbm4b:s28+s17], $0x800, $0x38;
	[tilespmem:$0x4000] =	vst v63  }
0x15: {  	_ =	swait.ge [sflag:s10], $0x800  }
0x16: {  	s16 =	sshrl.u32 s16, $0x2;
	[sflag:s10] =	ssyncset.done $0x0  }
0x17: {  	s29 =	sadd.s32 s5, s16;
	[sflag:s10] =	ssyncadd.s32 $0xFFFFF800  }
0x18: {  	v1 =	vmov s17;
	[tilespmem:s11], [sflag:$0x1] =	stream.linear.gather [hbm4b:s29+s17], $0x1000, $0x38;
	[tilespmem:$0x4000] =	vst v63  }
0x19: {  	v1 =	vshll.u32 v1, $0x1;
	_ =	swait.ge [sflag:s10], $0x1000  }
0x1a: {  	v1 =	vor.u32 v0, v1;
	[sflag:s10] =	ssyncset.done $0x0  }
0x1b: {  	s30 =	sadd.s32 s16, s8;
	v2 =	vor.u32 $0x1, v1;
	[sflag:s10] =	ssyncadd.s32 $0xFFFFF000  }
0x1c: {  	[tilespmem:s12], [sflag:$0x1] =	stream.linear.gather [hbm4b:s30+s17], $0x1000, $0x38;
	[tilespmem:$0x4000] =	vst v63  }
0x1d: {  	_ =	swait.ge [sflag:s10], $0x1000  }
0x1e: {  	[sflag:s10] =	ssyncset.done $0x0  }
0x1f: {  	[sflag:s10] =	ssyncadd.s32 $0xFFFFF000  }
0x20: {  	v3 =	vld.idx.msk [tilespmem:v2+s12+$0x0], $0xffff  }
0x21: {  	v4 =	vld.idx.msk [tilespmem:v2+s11+$0x0], $0xffff  }
0x22: {  	v5 =	vld.idx.msk [tilespmem:v1+s12+$0x0], $0xffff  }
0x23: {  	v6 =	vld [tilespmem:s18+$0x0]  }
0x24: {  	v7 =	vld [tilespmem:s17+$0x0]  }
0x25: {  	v8 =	vld.idx.msk [tilespmem:v1+s11+$0x0], $0xffff;
	_ =	sdelay $0x3  }
0x26: {  	vm0 =	vgt.s32 v6, v7  }
0x27: {  	v5 =	vsel vm0, v5, v8;
	v3 =	vsel vm0, v3, v4  }
0x28: {  	v4 =	vmax.f32 v5, v3  }
0x29: {  	v5 =	vsub.f32 v5, v4  }
0x2a: {  	v3 =	vsub.f32 v3, v4  }
0x2b: {  	v4 =	vmul.f32 $1.442695020e+00, v5  }
0x2c: {  	v3 =	vmul.f32 $1.442695020e+00, v3  }
0x2d: {  	(erf) = vpow2.f32 v4  }
0x2e: {  	(erf) = vpow2.f32 v3;
	_ =	sdelay $0x7  }
0x2f: {  	v3 =	vpop (erf)  }
0x30: {  	v4 =	vpop (erf)  }
0x31: {  	v5 =	vadd.f32 v4, v3;
	_ =	sdelay $0x1  }
0x32: {  	(erf) = vrcp.f32 v5;
	_ =	sdelay $0x6  }
0x33: {  	s31 =	simm.s32 $0x10  }
0x34: {  	v5 =	vmov s31  }
0x35: {  	v5 =	vshll.u32 v5, $0x1;
	v6 =	vpop (erf)  }
0x36: {  	v7 =	vmul.f32 v6, v3;
	v3 =	vor.u32 v0, v5  }
0x37: {  	v5 =	vmul.f32 v6, v4;
	v4 =	vor.u32 $0x1, v3;
	_ =	sdelay $0x2  }
0x38: {  	[tilespmem:v1+s13+$0x0] =	vst.idx.msk $0xffff, v7;
	v1 =	vmov v3  }
0x39: {  	s19 =	simm.s32 $0x20;
	[tilespmem:v2+s13+$0x0] =	vst.idx.msk $0xffff, v5;
	v2 =	vmov v4  }
.LBB2_3:
0x3a: {  	p0 =	sne.s32 s19, $0x7F0;
	v5 =	vld.idx.msk [tilespmem:v4+s12+$0x0], $0xffff  }
0x3b: {  	v4 =	vld.idx.msk [tilespmem:v4+s11+$0x0], $0xffff  }
0x3c: {  	v3 =	vld.idx.msk [tilespmem:v3+s12+$0x0], $0xffff  }
0x3d: {  	s18 =	sadd.s32 $0x10, s18;
	v6 =	vld.idx.msk [tilespmem:v1+s11+$0x0], $0xffff  }
0x3e: {  	s17 =	sadd.s32 $0x10, s17;
	v7 =	vld [tilespmem:s18+$0x0]  }
0x3f: {  	v8 =	vld [tilespmem:s17+$0x0];
	_ =	sdelay $0x4  }
0x40: {  	vm0 =	vgt.s32 v7, v8  }
0x41: {  	v3 =	vsel vm0, v3, v6;
	v4 =	vsel vm0, v5, v4  }
0x42: {  	v5 =	vmax.f32 v3, v4  }
0x43: {  	v3 =	vsub.f32 v3, v5  }
0x44: {  	v4 =	vsub.f32 v4, v5  }
0x45: {  	v3 =	vmul.f32 $1.442695020e+00, v3  }
0x46: {  	v4 =	vmul.f32 $1.442695020e+00, v4  }
0x47: {  	(erf) = vpow2.f32 v3  }
0x48: {  	(erf) = vpow2.f32 v4;
	_ =	sdelay $0x7  }
0x49: {  	v5 =	vpop (erf)  }
0x4a: {  	v6 =	vpop (erf)  }
0x4b: {  	v3 =	vadd.f32 v6, v5;
	_ =	sdelay $0x1  }
0x4c: {  	(erf) = vrcp.f32 v3;
	_ =	sdelay $0x5  }
0x4d: {  	v3 =	vmov s19  }
0x4e: {  	v3 =	vshll.u32 v3, $0x1  }
0x4f: {  	v3 =	vor.u32 v0, v3  }
.Ltmp0:
0x50: {  	v4 =	vor.u32 $0x1, v3;
	v7 =	vpop (erf);
	(pc) =	sbr.rel @p0 .LBB2_3-.Ltmp0, $3  }
0x51: {  	v5 =	vmul.f32 v7, v5;
	v6 =	vmul.f32 v7, v6;
	_ =	sdelay $0x1  }
0x52: {  	[tilespmem:v1+s13+$0x0] =	vst.idx.msk $0xffff, v5;
	v1 =	vmov v3  }
0x53: {  	s19 =	sadd.s32 $0x10, s19;
	[tilespmem:v2+s13+$0x0] =	vst.idx.msk $0xffff, v6;
	v2 =	vmov v4  }
0x54: {  	_ =	sdelay $0x3  }
0x55: {  	v5 =	vld.idx.msk [tilespmem:v4+s12+$0x0], $0xffff  }
0x56: {  	v62 =	vld.idx.msk [tilespmem:v4+s11+$0x0], $0xffff  }
0x57: {  	v3 =	vld.idx.msk [tilespmem:v3+s12+$0x0], $0xffff;
	s18 =	sadd.s32 $0x10, s18  }
0x58: {  	s17 =	sadd.s32 $0x10, s17;
	v6 =	vld [tilespmem:s18+$0x0]  }
0x59: {  	v7 =	vld [tilespmem:s17+$0x0]  }
0x5a: {  	v8 =	vld.idx.msk [tilespmem:v1+s11+$0x0], $0xffff;
	_ =	sdelay $0x3  }
0x5b: {  	vm0 =	vgt.s32 v6, v7  }
0x5c: {  	v3 =	vsel vm0, v3, v8;
	v4 =	vsel vm0, v5, v62  }
0x5d: {  	v5 =	vmax.f32 v3, v4  }
0x5e: {  	v3 =	vsub.f32 v3, v5  }
0x5f: {  	v4 =	vsub.f32 v4, v5  }
0x60: {  	v3 =	vmul.f32 $1.442695020e+00, v3  }
0x61: {  	v4 =	vmul.f32 $1.442695020e+00, v4  }
0x62: {  	(erf) = vpow2.f32 v3  }
0x63: {  	(erf) = vpow2.f32 v4;
	_ =	sdelay $0x7  }
0x64: {  	v3 =	vpop (erf)  }
0x65: {  	v4 =	vpop (erf)  }
0x66: {  	v63 =	vadd.f32 v4, v3;
	_ =	sdelay $0x1  }
0x67: {  	(erf) = vrcp.f32 v63;
	_ =	sdelay $0x8  }
0x68: {  	v5 =	vpop (erf)  }
0x69: {  	v3 =	vmul.f32 v5, v3  }
0x6a: {  	s15 =	sadd.s32 $0x1, s15;
	v4 =	vmul.f32 v5, v4  }
0x6b: {  	p0 =	sne.s32 s15, $0x10;
	[tilespmem:v1+s13+$0x0] =	vst.idx.msk $0xffff, v3  }
.Ltmp1:
0x6c: {  	s16 =	sadd.s32 s1, s16;
	[tilespmem:v2+s13+$0x0] =	vst.idx.msk $0xffff, v4;
	(pc) =	sbr.rel @p0 .LBB2_2-.Ltmp1, $4  }
0x6d: {  	[hbm4b:s16+s2] =	stream.linear.scatter [tilespmem:s13], [sflag:$0x1], $0x1000, $0x38;
	[tilespmem:$0x4000] =	vst v63  }
0x6e: {  	_ =	swait.ge [sflag:s10], $0x1000  }
0x6f: {  	[sflag:s10] =	ssyncset.done $0x0  }
0x70: {  	[sflag:s10] =	ssyncadd.s32 $0xFFFFF000  }
0x71: {  	s14 =	sadd.s32 $0x1, s14  }
0x72: {  	p0 =	sne.s32 s14, s9  }
.Ltmp2:
0x73: {  	_ = 	snop;
	(pc) =	sbr.rel @p0 .LBB2_1-.Ltmp2, $1  }
0x74: {  	_ =	sdelay $0x3  }
0x75: {  	_ =	sfence.sel $0x180000  }
0x76: {  	[bflag:$0x0] =	sbarrier.arrive $0xFFFF  }
0x77: {  	p0 =	sne.s32 s3, $0x0;
	_ =	strace $0x9000004D  }
0x78: {  	s0 =	sadd.s32 @!p0 $0x100000, s0;
	[bflag:$0x2] =	sbarrier.arrive $0xFFFF  }
0x79: {  	[sflag:s0] =	ssyncadd.tile.s32 @!p0 $0x1;
	_ =	shalt  }
.Lfunc_end2:
_tile_overlayer_lowered:
.L_overlay_start_2:
0x7a: {  	(tag) =	ssettag $0x2  }
0x7b: {  	s0 =	rddreg [dreg:$0x0];
	s2 =	stileid.u32  }
0x7c: {  	s1 =	rddreg [dreg:$0x1];
	p0 =	sne.s32 s2, $0x0  }
0x7d: {  	s3 =	rddreg [dreg:$0x2];
	[bflag:$0x3] =	sbarrier.arrive $0xFFFF;
	s2 =	simm.s32 @!p0 $0x1C01  }
0x7e: {  	[timem:s3], [sflag:s2] =	dma.local @!p0 [hbm:s0], s1  }
0x7f: {  	s0 =	simm.s32 @!p0 $0x1  }
0x80: {  	_ =	swait.ge @!p0 [sflag:s0], s1  }
0x81: {  	s1 =	ssub.s32 @!p0 $0x0, s1;
	[sflag:s0] =	ssyncset.done @!p0 $0x0  }
0x82: {  	[sflag:s0] =	ssyncadd.s32 @!p0 s1  }
0x83: {  	[bflag:$0x3] =	sbarrier.arrive $0xFFFF  }
0x84: {  	_ =	shalt  }

// kernel: kernel.5.cloned.1.call-start
scs
__scs_entry_jumppad:
0x0: {  	(pc) =	sbr.rel $0x88, $3  }
0x1: {  	(tag) =	ssettag $0x0;
	lr =	simm.s32 $0x1  }
0x2: {  	[smem:$0x3F9D] =	sst lr;
	_ =	strace $0xD0000000  }
0x3: {  	_ = 	snop  }
0x4: {  	_ = 	snop  }
0x5: {  	_ = 	snop  }
0x6: {  	_ = 	snop  }
0x7: {  	_ = 	snop  }
__scs_overlays_trampoline_lowered:
0x8: {  	[smem:$0x3FAC] =	sst s0  }
0x9: {  	[smem:$0x3FAD] =	sst s1  }
0xa: {  	[smem:$0x3FAE] =	sst s2  }
0xb: {  	[smem:$0x3FAF] =	sst s3  }
0xc: {  	[smem:$0x3FB0] =	sst s4  }
0xd: {  	[smem:$0x3FB1] =	sst s5  }
0xe: {  	[smem:$0x3FB2] =	sst s6  }
0xf: {  	[smem:$0x3FB3] =	sst s7  }
0x10: {  	[smem:$0x3FB4] =	sst s8  }
0x11: {  	[smem:$0x3FB5] =	sst s9;
	s0 =	simm.s32 @!p0 $0x0  }
0x12: {  	s1 =	sld [smem:$0x3F9B];
	s0 =	simm.s32 @p0 $0x1  }
0x13: {  	[smem:$0x3FB6] =	sst s0;
	s0 =	simm.s32 @!p1 $0x0  }
0x14: {  	s2 =	sld [smem:$0x3F9A];
	s0 =	simm.s32 @p1 $0x1  }
0x15: {  	[smem:$0x3FB7] =	sst s0;
	s0 =	simm.s32 @!p2 $0x0  }
0x16: {  	s3 =	sld [smem:$0x3FDB];
	s0 =	simm.s32 @p2 $0x1  }
0x17: {  	s4 =	simm.s32 $0x1BF5;
	[smem:$0x3FB9] =	sst s0  }
0x18: {  	s0 =	sld [smem:$0x3F9C];
	_ =	swait.ge [sflag:s4], $0x0  }
0x19: {  	s7 =	sld [smem:$0x3F9D]  }
0x1a: {  	s8 =	sadd.s32 $0xFFFFE003, lr  }
0x1b: {  	s9 =	sadd.s32 $0xFFFFFEF7, lr;
	s5 =	simm.s32 $0xFFFFFFFF;
	p2 =	slt.u32 s8, $0xFFFFF086  }
0x1c: {  	p1 =	slt.u32 s9, $0xF7A;
	s5 =	simm.s32 @!p2 $0x0  }
0x1d: {  	s5 =	simm.s32 @p1 $0x1;
	p0 =	seq.s32 s7, s2  }
0x1e: {  	s7 =	smul.u32 @!p0 $0xF7A, s2;
	p2 =	seq.s32 @!p0 s5, $0x0  }
0x1f: {  	s9 =	smul.u32 $0xF7A, s1;
	s8 =	simm.s32 @!p0 $0x1BF5;
	p2 =	por !p2, p0  }
0x20: {  	[sflag:s8] =	ssyncset.s32 @!p0 $0xFFFFF086;
	s6 =	sadd.s32 @!p0 s3, s7;
	s7 =	simm.s32 @!p0 $0x108  }
0x21: {  	s3 =	sadd.s32 s3, s9;
	s6 =	sadd.s32 @!p0 $0x88, s6;
	s7 =	simm.s32 @p2 $0x1082  }
0x22: {  	[simem:s7], [sflag:s8] =	dma.local @!p0 [hbm:s6], $0xF7A  }
0x23: {  	s9 =	sor.u32 $0xD0000000, s2;
	s6 =	simm.s32 $0x108;
	_ =	swait.ge @!p0 [sflag:s8], $0x0  }
0x24: {  	s3 =	sadd.s32 $0x88, s3;
	s6 =	simm.s32 @!p1 $0x1082;
	[sflag:s4] =	ssyncset.s32 $0xFFFFF086  }
0x25: {  	[simem:s6], [sflag:s4] =	dma.local [hbm:s3], $0xF7A  }
0x26: {  	[smem:$0x3F9D] =	sst s1;
	(tag) =	ssettag s2;
	_ =	strace s9  }
0x27: {  	s1 =	sld [smem:$0x3FAD]  }
0x28: {  	s2 =	sld [smem:$0x3FAE]  }
0x29: {  	s4 =	sld [smem:$0x3FB0]  }
0x2a: {  	p0 =	seq.s32 s5, $0x0;
	s5 =	sld [smem:$0x3FB1]  }
0x2b: {  	s6 =	sld [smem:$0x3FB2]  }
0x2c: {  	s7 =	sld [smem:$0x3FB3]  }
0x2d: {  	s3 =	simm.s32 $0x108;
	s8 =	sld [smem:$0x3FB4]  }
0x2e: {  	s3 =	simm.s32 @!p0 $0x1082;
	s9 =	sld [smem:$0x3FB5]  }
0x2f: {  	lr =	sadd.s32 s0, s3;
	s0 =	sld [smem:$0x3FAC]  }
0x30: {  	s3 =	sld [smem:$0x3FAF]  }
0x31: {  	[smem:$0x3FB8] =	sst s10  }
0x32: {  	s10 =	sld [smem:$0x3FB6];
	_ =	sdelay $0x3  }
0x33: {  	p0 =	seq.s32 s10, $0x1;
	s10 =	sld [smem:$0x3FB8];
	_ =	sdelay $0x3  }
0x34: {  	[smem:$0x3FB8] =	sst s10  }
0x35: {  	s10 =	sld [smem:$0x3FB7];
	_ =	sdelay $0x3  }
0x36: {  	p1 =	seq.s32 s10, $0x1;
	s10 =	sld [smem:$0x3FB8];
	_ =	sdelay $0x3  }
0x37: {  	[smem:$0x3FB8] =	sst s10  }
0x38: {  	s10 =	sld [smem:$0x3FB9]  }
0x39: {  	_ = 	snop;
	(pc) =	sbr.ind lr, $3  }
0x3a: {  	_ = 	snop  }
0x3b: {  	_ = 	snop  }
0x3c: {  	p2 =	seq.s32 s10, $0x1;
	s10 =	sld [smem:$0x3FB8]  }
0x3d: {  	_ =	shalt  }
0x3e: {  	_ =	shalt  }
0x3f: {  	_ =	shalt  }
0x40: {  	_ =	shalt  }
0x41: {  	_ =	shalt  }
0x42: {  	_ =	shalt  }
0x43: {  	_ =	shalt  }
0x44: {  	_ =	shalt  }
0x45: {  	_ =	shalt  }
0x46: {  	_ =	shalt  }
0x47: {  	_ =	shalt  }
0x48: {  	_ =	shalt  }
0x49: {  	_ =	shalt  }
0x4a: {  	_ =	shalt  }
0x4b: {  	_ =	shalt  }
0x4c: {  	_ =	shalt  }
0x4d: {  	_ =	shalt  }
0x4e: {  	_ =	shalt  }
0x4f: {  	_ =	shalt  }
0x50: {  	_ =	shalt  }
0x51: {  	_ =	shalt  }
0x52: {  	_ =	shalt  }
0x53: {  	_ =	shalt  }
0x54: {  	_ =	shalt  }
0x55: {  	_ =	shalt  }
0x56: {  	_ =	shalt  }
0x57: {  	_ =	shalt  }
0x58: {  	_ =	shalt  }
0x59: {  	_ =	shalt  }
0x5a: {  	_ =	shalt  }
0x5b: {  	_ =	shalt  }
0x5c: {  	_ =	shalt  }
0x5d: {  	_ =	shalt  }
0x5e: {  	_ =	shalt  }
0x5f: {  	_ =	shalt  }
0x60: {  	_ =	shalt  }
0x61: {  	_ =	shalt  }
0x62: {  	_ =	shalt  }
0x63: {  	_ =	shalt  }
0x64: {  	_ =	shalt  }
0x65: {  	_ =	shalt  }
0x66: {  	_ =	shalt  }
0x67: {  	_ =	shalt  }
0x68: {  	_ =	shalt  }
0x69: {  	_ =	shalt  }
0x6a: {  	_ =	shalt  }
0x6b: {  	_ =	shalt  }
0x6c: {  	_ =	shalt  }
0x6d: {  	_ =	shalt  }
0x6e: {  	_ =	shalt  }
0x6f: {  	_ =	shalt  }
0x70: {  	_ =	shalt  }
0x71: {  	_ =	shalt  }
0x72: {  	_ =	shalt  }
0x73: {  	_ =	shalt  }
0x74: {  	_ =	shalt  }
0x75: {  	_ =	shalt  }
0x76: {  	_ =	shalt  }
0x77: {  	_ =	shalt  }
0x78: {  	_ =	shalt  }
0x79: {  	_ =	shalt  }
0x7a: {  	_ =	shalt  }
0x7b: {  	_ =	shalt  }
0x7c: {  	_ =	shalt  }
0x7d: {  	_ =	shalt  }
0x7e: {  	_ =	shalt  }
0x7f: {  	_ =	shalt  }
0x80: {  	_ =	shalt  }
0x81: {  	_ =	shalt  }
0x82: {  	_ =	shalt  }
0x83: {  	_ =	shalt  }
0x84: {  	_ =	shalt  }
0x85: {  	_ =	shalt  }
0x86: {  	_ =	shalt  }
0x87: {  	_ =	shalt  }
.Lfunc_end0:
.L_simem_size_0:
called_computation_lowered:
.L_overlay_start_0:
0x88: {  	s2 =	sld [smem:$0x3FD9]  }
0x89: {  	s3 =	sld [smem:$0x3FFE];
	_ =	sdelay $0x1  }
0x8a: {  	s1 =	srdreg.scid  }
0x8b: {  	s0 =	sand.u32 $0x1, s1  }
0x8c: {  	s17 =	sshll.u32 s0, $0xA;
	s2 =	sadd.s32 s3, s2  }
0x8d: {  	s2 =	sadd.s32 s2, s17  }
0x8e: {  	[smem:$0x3FC4] =	sst s2  }
0x8f: {  	_ = 	snop  }
0x90: {  	s2 =	sld [smem:$0x3FD0];
	(tm) =	ssettm $0x1  }
0x91: {  	s18 =	sld [smem:$0x3FFB];
	_ =	sdelay $0x3  }
0x92: {  	_ =	strace s18  }
0x93: {  	s3 =	sld [smem:$0x3FFC];
	_ =	sdelay $0x3  }
0x94: {  	_ =	strace s3  }
0x95: {  	s3 =	sld [smem:$0x3FFD];
	_ =	sdelay $0x3  }
0x96: {  	_ =	strace s3  }
0x97: {  	_ =	strace $0x8FFFFFFF  }
0x98: {  	s19 =	sld [smem:$0x3FDB];
	_ =	sdelay $0x1  }
0x99: {  	s4 =	simm.s32 $_scs_section_size  }
0x9a: {  	s5 =	simm.s32 $_size__tile_overlayer_lowered;
	s6 =	simm.s32 $_tile_overlayer_lowered  }
0x9b: {  	s22 =	simm.s32 $0x1BFF;
	s21 =	sshll.u32 s6, $0x1;
	s3 =	sadd.s32 s4, s19  }
0x9c: {  	s7 =	simm.s32 $0x0;
	s20 =	sshll.u32 s5, $0x1;
	s5 =	sadd.s32 s21, s3  }
0x9d: {  	[timem:s7], [sflag:s22] =	dma.local [hbm:s5], s20  }
0x9e: {  	_ =	swait.ge [sflag:s22], s20  }
0x9f: {  	s4 =	ssub.s32 $0x0, s20;
	[sflag:s22] =	ssyncset.done $0x0  }
0xa0: {  	[sflag:s22] =	ssyncadd.s32 s4;
	_ =	sdelay $0x1  }
0xa1: {  	s23 =	simm.s32 $0x1B8B  }
0xa2: {  	_ =	swait.ge [sflag:s23], $0x1  }
0xa3: {  	[sflag:s23] =	ssyncset.done $0x0  }
0xa4: {  	s25 =	simm.s32 $0x1B8E;
	s24 =	sld [smem:$0x3FFE];
	[sflag:s23] =	ssyncadd.s32 $0xFFFFFFFF  }
0xa5: {  	s26 =	simm.s32 $execute0_lowered;
	[smem:$0x3FD2] =	sst s25  }
0xa6: {  	s5 =	sshll.u32 s26, $0x1;
	_ =	strace $0x80000046;
	[dreg:$0x1] =	wrdreg $0xFFFFFFFF  }
0xa7: {  	s28 =	simm.s32 $_size_execute0_lowered;
	s3 =	sadd.s32 s3, s5;
	[dreg:$0x0] =	wrdreg $0x0  }
0xa8: {  	s5 =	sshll.u32 s28, $0x1;
	[dreg:$0x2] =	wrdreg s3  }
0xa9: {  	[dreg:$0x3] =	wrdreg s5  }
0xaa: {  	[dreg:$0x4] =	wrdreg $0xC0  }
0xab: {  	_ =	task [dreg:s7], $0x5FFFF  }
0xac: {  	[dreg:$0x1] =	wrdreg $0xFFFFFFFF  }
0xad: {  	[dreg:$0x0] =	wrdreg $0x60  }
0xae: {  	[dreg:$0x2] =	wrdreg s2  }
0xaf: {  	[dreg:$0x3] =	wrdreg s24  }
0xb0: {  	[dreg:$0x4] =	wrdreg $0x9  }
0xb1: {  	_ =	task.clear_ibuf [dreg:s7], $0x5FFFF;
	_ =	strace $0x90000046  }
0xb2: {  	s29 =	simm.s32 $0x9;
	_ =	strace $0x80000048  }
0xb3: {  	_ =	swait.ge [sflag:s29], $0x1  }
0xb4: {  	[sflag:s29] =	ssyncadd.s32 $0xFFFFFFFF  }
0xb5: {  	_ =	strace $0x90000048  }
0xb6: {  	_ =	sfence  }
0xb7: {  	s30 =	sld [smem:$0x0];
	_ =	sdelay $0x2  }
0xb8: {  	s31 =	sshll.u32 s1, $0xD;
	s1 =	sshrl.u32 s1, $0x2  }
0xb9: {  	s3 =	sand.u32 $0x4000, s31;
	s1 =	sadd.s32 s1, s30  }
0xba: {  	s0 =	sor.u32 s3, s0;
	s1 =	sshll.u32 s1, $0x11  }
0xbb: {  	s0 =	sor.u32 s1, s0  }
0xbc: {  	s0 =	sadd.s32 $0x8F2B, s0  }
0xbd: {  	[sflag:s0] =	ssyncadd.remote.s32 $0x1  }
0xbe: {  	_ =	sfence.sel $0xFFFF  }
0xbf: {  	[dreg:$0x0] =	wrdreg $0xFFFFFFFF;
	(pc) =	sbr.abs _section_cstart, $3  }
0xc0: {  	[dreg:$0x1] =	wrdreg $0xFFFFFFFF  }
0xc1: {  	_ =	task.clear_ibuf [dreg:s7], $0x2FFFF;
	_ =	strace $0x9FFFFFFF  }
0xc2: {  	(tm) =	ssettm $0x7FFFFFFF  }
0xc3: {  	_ =	shalt  }
tec
execute0_lowered:
.L_overlay_start_1:
0x0: {  	(tag) =	ssettag $0x1  }
0x1: {  	s2 =	rddreg [dreg:$0x0]  }
0x2: {  	s0 =	srdreg.scid;
	s3 =	rddreg [dreg:$0x1]  }
0x3: {  	s1 =	stileid.u32;
	s4 =	simm.s32 $0x0;
	s5 =	sand.u32 $0x1, s0  }
0x4: {  	s9 =	simm.s32 $0x1;
	s10 =	simm.s32 $0xA10;
	s6 =	sshll.u32 s5, $0x4  }
0x5: {  	s11 =	simm.s32 $0x0;
	s15 =	simm.s32 $0x0;
	s6 =	sor.u32 s1, s6  }
0x6: {  	[smem:$0x7FF] =	sst s4;
	s5 =	ssub.s32 $0x2, s5;
	s7 =	smul.u32 $0x42, s6  }
0x7: {  	s0 =	rddreg [dreg:$0x2];
	_ =	strace $0x80000047;
	s8 =	sshrl.u32 s5, $0x1  }
0x8: {  	v1 =	vlaneseq.u32;
	s8 =	ssub.s32 s5, s8;
	s5 =	sshll.u32 s6, $0xD;
	s7 =	sadd.s32 s7, s3  }
0x9: {  	v0 =	vimm.s32 $0x0;
	v1 =	vmul.u32 $0x21, v1;
	s6 =	sadd.s32 $0x40000, s7;
	s7 =	smax.u32 s8, $0x1;
	s8 =	simm.s32 $0x210  }
.LBB2_1:
0xa: {  	[tilespmem:$0x0] =	vst v0  }
0xb: {  	[tilespmem:$0x10] =	vst v0  }
0xc: {  	[tilespmem:$0x20] =	vst v0  }
0xd: {  	[tilespmem:$0x30] =	vst v0  }
0xe: {  	[tilespmem:$0x40] =	vst v0  }
0xf: {  	[tilespmem:$0x50] =	vst v0  }
0x10: {  	[tilespmem:$0x60] =	vst v0  }
0x11: {  	[tilespmem:$0x70] =	vst v0  }
0x12: {  	[tilespmem:$0x80] =	vst v0  }
0x13: {  	[tilespmem:$0x90] =	vst v0  }
0x14: {  	[tilespmem:$0xA0] =	vst v0  }
0x15: {  	[tilespmem:$0xB0] =	vst v0  }
0x16: {  	[tilespmem:$0xC0] =	vst v0  }
0x17: {  	[tilespmem:$0xD0] =	vst v0  }
0x18: {  	[tilespmem:$0xE0] =	vst v0  }
0x19: {  	[tilespmem:$0xF0] =	vst v0  }
0x1a: {  	[tilespmem:$0x100] =	vst v0  }
0x1b: {  	[tilespmem:$0x110] =	vst v0  }
0x1c: {  	[tilespmem:$0x120] =	vst v0  }
0x1d: {  	[tilespmem:$0x130] =	vst v0  }
0x1e: {  	[tilespmem:$0x140] =	vst v0  }
0x1f: {  	[tilespmem:$0x150] =	vst v0  }
0x20: {  	[tilespmem:$0x160] =	vst v0  }
0x21: {  	[tilespmem:$0x170] =	vst v0  }
0x22: {  	[tilespmem:$0x180] =	vst v0  }
0x23: {  	[tilespmem:$0x190] =	vst v0  }
0x24: {  	[tilespmem:$0x1A0] =	vst v0  }
0x25: {  	[tilespmem:$0x1B0] =	vst v0  }
0x26: {  	[tilespmem:$0x1C0] =	vst v0  }
0x27: {  	[tilespmem:$0x1D0] =	vst v0  }
0x28: {  	[tilespmem:$0x1E0] =	vst v0  }
0x29: {  	[tilespmem:$0x1F0] =	vst v0  }
0x2a: {  	[tilespmem:$0x200] =	vst v0;
	s12 =	simm.s32 $0x0  }
.LBB2_2:
0x2b: {  	s13 =	sshll.u32 s12, $0x8  }
0x2c: {  	s13 =	sadd.s32 s5, s13  }
0x2d: {  	s14 =	sadd.s32 s2, s13  }
0x2e: {  	[tilespmem:s8], [sflag:$0x1] =	stream.linear.gather [hbm4b:s14+s15], $0x800, $0x38;
	[tilespmem:$0x1210] =	vst v63  }
0x2f: {  	_ =	swait.ge [sflag:s9], $0x800  }
0x30: {  	[sflag:s9] =	ssyncset.done $0x0  }
0x31: {  	s13 =	sadd.s32 s3, s13;
	[sflag:s9] =	ssyncadd.s32 $0xFFFFF800  }
0x32: {  	[tilespmem:s10], [sflag:$0x1] =	stream.linear.gather [hbm4b:s13+s15], $0x800, $0x38;
	[tilespmem:$0x1210] =	vst v63  }
0x33: {  	_ =	swait.ge [sflag:s9], $0x800  }
0x34: {  	[sflag:s9] =	ssyncset.done $0x0  }
0x35: {  	s14 =	simm.s32 $0x0;
	s13 =	simm.s32 $0x40;
	[sflag:s9] =	ssyncadd.s32 $0xFFFFF800  }
.LBB2_3:
0x36: {  	p0 =	sne.s32 s13, $0x1FC0;
	v2 =	vld [tilespmem:s14+$0x210]  }
0x37: {  	v3 =	vld [tilespmem:s14+$0xA10];
	_ =	sdelay $0x3  }
0x38: {  	v2 =	vshll.u32 v2, $0x9  }
0x39: {  	v2 =	vadd.s32 v3, v2  }
0x3a: {  	v2 =	vshra.s32 v2, $0x6  }
0x3b: {  	v2 =	vadd.s32 v1, v2;
	_ =	sdelay $0x4  }
0x3c: {  	v3 =	vld.idx.msk [tilespmem:v2+s4+$0x0], $0xffff;
	_ =	sdelay $0x2  }
.Ltmp0:
0x3d: {  	(pc) =	sbr.rel @p0 .LBB2_3-.Ltmp0, $3  }
0x3e: {  	_ =	sdelay $0x1  }
0x3f: {  	v3 =	vadd.s32 $0x1, v3  }
0x40: {  	s14 =	sshra.s32 s13, $0x2;
	s13 =	sadd.s32 $0x40, s13;
	[tilespmem:v2+s4+$0x0] =	vst.idx.msk $0xffff, v3  }
0x41: {  	v2 =	vld [tilespmem:s14+$0x210]  }
0x42: {  	v3 =	vld [tilespmem:s14+$0xA10];
	_ =	sdelay $0x3  }
0x43: {  	v2 =	vshll.u32 v2, $0x9  }
0x44: {  	v2 =	vadd.s32 v3, v2  }
0x45: {  	v2 =	vshra.s32 v2, $0x6  }
0x46: {  	v2 =	vadd.s32 v1, v2;
	_ =	sdelay $0x4  }
0x47: {  	s12 =	sadd.s32 $0x1, s12;
	v3 =	vld.idx.msk [tilespmem:v2+s4+$0x0], $0xffff  }
0x48: {  	p0 =	sne.s32 s12, $0x20  }
.Ltmp1:
0x49: {  	_ = 	snop;
	(pc) =	sbr.rel @p0 .LBB2_2-.Ltmp1, $3  }
0x4a: {  	_ =	sdelay $0x1  }
0x4b: {  	v3 =	vadd.s32 $0x1, v3  }
0x4c: {  	[tilespmem:v2+s4+$0x0] =	vst.idx.msk $0xffff, v3  }
0x4d: {  	s11 =	sadd.s32 $0x1, s11  }
0x4e: {  	p0 =	sne.s32 s11, s7  }
.Ltmp2:
0x4f: {  	_ = 	snop;
	(pc) =	sbr.rel @p0 .LBB2_1-.Ltmp2, $4  }
0x50: {  	[hbm4b:s6+s4] =	stream.linear.scatter [tilespmem:s4], [sflag:$0x1], $0x210, $0x38;
	[tilespmem:$0x1210] =	vst v63  }
0x51: {  	_ =	swait.ge [sflag:s9], $0x210  }
0x52: {  	[sflag:s9] =	ssyncset.done $0x0  }
0x53: {  	[sflag:s9] =	ssyncadd.s32 $0xFFFFFDF0  }
0x54: {  	_ =	sfence.sel $0x180000  }
0x55: {  	[bflag:$0x0] =	sbarrier.arrive $0xFFFF  }
0x56: {  	p0 =	sne.s32 s1, $0x0;
	_ =	strace $0x90000047  }
0x57: {  	s0 =	sadd.s32 @!p0 $0x100000, s0;
	[bflag:$0x2] =	sbarrier.arrive $0xFFFF  }
0x58: {  	[sflag:s0] =	ssyncadd.tile.s32 @!p0 $0x1;
	_ =	shalt  }
.Lfunc_end2:
_tile_overlayer_lowered:
.L_overlay_start_2:
0x59: {  	(tag) =	ssettag $0x2  }
0x5a: {  	s0 =	rddreg [dreg:$0x0];
	s2 =	stileid.u32  }
0x5b: {  	s1 =	rddreg [dreg:$0x1];
	p0 =	sne.s32 s2, $0x0  }
0x5c: {  	s3 =	rddreg [dreg:$0x2];
	[bflag:$0x3] =	sbarrier.arrive $0xFFFF;
	s2 =	simm.s32 @!p0 $0x1C01  }
0x5d: {  	[timem:s3], [sflag:s2] =	dma.local @!p0 [hbm:s0], s1  }
0x5e: {  	s0 =	simm.s32 @!p0 $0x1  }
0x5f: {  	_ =	swait.ge @!p0 [sflag:s0], s1  }
0x60: {  	s1 =	ssub.s32 @!p0 $0x0, s1;
	[sflag:s0] =	ssyncset.done @!p0 $0x0  }
0x61: {  	[sflag:s0] =	ssyncadd.s32 @!p0 s1  }
0x62: {  	[bflag:$0x3] =	sbarrier.arrive $0xFFFF  }
0x63: {  	_ =	shalt  }

// kernel: kernel.8.cloned.1.call-start
scs
__scs_entry_jumppad:
0x0: {  	(pc) =	sbr.rel $0x88, $3  }
0x1: {  	(tag) =	ssettag $0x0;
	lr =	simm.s32 $0x1  }
0x2: {  	[smem:$0x3F9D] =	sst lr;
	_ =	strace $0xD0000000  }
0x3: {  	_ = 	snop  }
0x4: {  	_ = 	snop  }
0x5: {  	_ = 	snop  }
0x6: {  	_ = 	snop  }
0x7: {  	_ = 	snop  }
__scs_overlays_trampoline_lowered:
0x8: {  	[smem:$0x3FAC] =	sst s0  }
0x9: {  	[smem:$0x3FAD] =	sst s1  }
0xa: {  	[smem:$0x3FAE] =	sst s2  }
0xb: {  	[smem:$0x3FAF] =	sst s3  }
0xc: {  	[smem:$0x3FB0] =	sst s4  }
0xd: {  	[smem:$0x3FB1] =	sst s5  }
0xe: {  	[smem:$0x3FB2] =	sst s6  }
0xf: {  	[smem:$0x3FB3] =	sst s7  }
0x10: {  	[smem:$0x3FB4] =	sst s8  }
0x11: {  	[smem:$0x3FB5] =	sst s9;
	s0 =	simm.s32 @!p0 $0x0  }
0x12: {  	s1 =	sld [smem:$0x3F9B];
	s0 =	simm.s32 @p0 $0x1  }
0x13: {  	[smem:$0x3FB6] =	sst s0;
	s0 =	simm.s32 @!p1 $0x0  }
0x14: {  	s2 =	sld [smem:$0x3F9A];
	s0 =	simm.s32 @p1 $0x1  }
0x15: {  	[smem:$0x3FB7] =	sst s0;
	s0 =	simm.s32 @!p2 $0x0  }
0x16: {  	s3 =	sld [smem:$0x3FDB];
	s0 =	simm.s32 @p2 $0x1  }
0x17: {  	s4 =	simm.s32 $0x1BF5;
	[smem:$0x3FB9] =	sst s0  }
0x18: {  	s0 =	sld [smem:$0x3F9C];
	_ =	swait.ge [sflag:s4], $0x0  }
0x19: {  	s7 =	sld [smem:$0x3F9D]  }
0x1a: {  	s8 =	sadd.s32 $0xFFFFE003, lr  }
0x1b: {  	s9 =	sadd.s32 $0xFFFFFEF7, lr;
	s5 =	simm.s32 $0xFFFFFFFF;
	p2 =	slt.u32 s8, $0xFFFFF086  }
0x1c: {  	p1 =	slt.u32 s9, $0xF7A;
	s5 =	simm.s32 @!p2 $0x0  }
0x1d: {  	s5 =	simm.s32 @p1 $0x1;
	p0 =	seq.s32 s7, s2  }
0x1e: {  	s7 =	smul.u32 @!p0 $0xF7A, s2;
	p2 =	seq.s32 @!p0 s5, $0x0  }
0x1f: {  	s9 =	smul.u32 $0xF7A, s1;
	s8 =	simm.s32 @!p0 $0x1BF5;
	p2 =	por !p2, p0  }
0x20: {  	[sflag:s8] =	ssyncset.s32 @!p0 $0xFFFFF086;
	s6 =	sadd.s32 @!p0 s3, s7;
	s7 =	simm.s32 @!p0 $0x108  }
0x21: {  	s3 =	sadd.s32 s3, s9;
	s6 =	sadd.s32 @!p0 $0x88, s6;
	s7 =	simm.s32 @p2 $0x1082  }
0x22: {  	[simem:s7], [sflag:s8] =	dma.local @!p0 [hbm:s6], $0xF7A  }
0x23: {  	s9 =	sor.u32 $0xD0000000, s2;
	s6 =	simm.s32 $0x108;
	_ =	swait.ge @!p0 [sflag:s8], $0x0  }
0x24: {  	s3 =	sadd.s32 $0x88, s3;
	s6 =	simm.s32 @!p1 $0x1082;
	[sflag:s4] =	ssyncset.s32 $0xFFFFF086  }
0x25: {  	[simem:s6], [sflag:s4] =	dma.local [hbm:s3], $0xF7A  }
0x26: {  	[smem:$0x3F9D] =	sst s1;
	(tag) =	ssettag s2;
	_ =	strace s9  }
0x27: {  	s1 =	sld [smem:$0x3FAD]  }
0x28: {  	s2 =	sld [smem:$0x3FAE]  }
0x29: {  	s4 =	sld [smem:$0x3FB0]  }
0x2a: {  	p0 =	seq.s32 s5, $0x0;
	s5 =	sld [smem:$0x3FB1]  }
0x2b: {  	s6 =	sld [smem:$0x3FB2]  }
0x2c: {  	s7 =	sld [smem:$0x3FB3]  }
0x2d: {  	s3 =	simm.s32 $0x108;
	s8 =	sld [smem:$0x3FB4]  }
0x2e: {  	s3 =	simm.s32 @!p0 $0x1082;
	s9 =	sld [smem:$0x3FB5]  }
0x2f: {  	lr =	sadd.s32 s0, s3;
	s0 =	sld [smem:$0x3FAC]  }
0x30: {  	s3 =	sld [smem:$0x3FAF]  }
0x31: {  	[smem:$0x3FB8] =	sst s10  }
0x32: {  	s10 =	sld [smem:$0x3FB6];
	_ =	sdelay $0x3  }
0x33: {  	p0 =	seq.s32 s10, $0x1;
	s10 =	sld [smem:$0x3FB8];
	_ =	sdelay $0x3  }
0x34: {  	[smem:$0x3FB8] =	sst s10  }
0x35: {  	s10 =	sld [smem:$0x3FB7];
	_ =	sdelay $0x3  }
0x36: {  	p1 =	seq.s32 s10, $0x1;
	s10 =	sld [smem:$0x3FB8];
	_ =	sdelay $0x3  }
0x37: {  	[smem:$0x3FB8] =	sst s10  }
0x38: {  	s10 =	sld [smem:$0x3FB9]  }
0x39: {  	_ = 	snop;
	(pc) =	sbr.ind lr, $3  }
0x3a: {  	_ = 	snop  }
0x3b: {  	_ = 	snop  }
0x3c: {  	p2 =	seq.s32 s10, $0x1;
	s10 =	sld [smem:$0x3FB8]  }
0x3d: {  	_ =	shalt  }
0x3e: {  	_ =	shalt  }
0x3f: {  	_ =	shalt  }
0x40: {  	_ =	shalt  }
0x41: {  	_ =	shalt  }
0x42: {  	_ =	shalt  }
0x43: {  	_ =	shalt  }
0x44: {  	_ =	shalt  }
0x45: {  	_ =	shalt  }
0x46: {  	_ =	shalt  }
0x47: {  	_ =	shalt  }
0x48: {  	_ =	shalt  }
0x49: {  	_ =	shalt  }
0x4a: {  	_ =	shalt  }
0x4b: {  	_ =	shalt  }
0x4c: {  	_ =	shalt  }
0x4d: {  	_ =	shalt  }
0x4e: {  	_ =	shalt  }
0x4f: {  	_ =	shalt  }
0x50: {  	_ =	shalt  }
0x51: {  	_ =	shalt  }
0x52: {  	_ =	shalt  }
0x53: {  	_ =	shalt  }
0x54: {  	_ =	shalt  }
0x55: {  	_ =	shalt  }
0x56: {  	_ =	shalt  }
0x57: {  	_ =	shalt  }
0x58: {  	_ =	shalt  }
0x59: {  	_ =	shalt  }
0x5a: {  	_ =	shalt  }
0x5b: {  	_ =	shalt  }
0x5c: {  	_ =	shalt  }
0x5d: {  	_ =	shalt  }
0x5e: {  	_ =	shalt  }
0x5f: {  	_ =	shalt  }
0x60: {  	_ =	shalt  }
0x61: {  	_ =	shalt  }
0x62: {  	_ =	shalt  }
0x63: {  	_ =	shalt  }
0x64: {  	_ =	shalt  }
0x65: {  	_ =	shalt  }
0x66: {  	_ =	shalt  }
0x67: {  	_ =	shalt  }
0x68: {  	_ =	shalt  }
0x69: {  	_ =	shalt  }
0x6a: {  	_ =	shalt  }
0x6b: {  	_ =	shalt  }
0x6c: {  	_ =	shalt  }
0x6d: {  	_ =	shalt  }
0x6e: {  	_ =	shalt  }
0x6f: {  	_ =	shalt  }
0x70: {  	_ =	shalt  }
0x71: {  	_ =	shalt  }
0x72: {  	_ =	shalt  }
0x73: {  	_ =	shalt  }
0x74: {  	_ =	shalt  }
0x75: {  	_ =	shalt  }
0x76: {  	_ =	shalt  }
0x77: {  	_ =	shalt  }
0x78: {  	_ =	shalt  }
0x79: {  	_ =	shalt  }
0x7a: {  	_ =	shalt  }
0x7b: {  	_ =	shalt  }
0x7c: {  	_ =	shalt  }
0x7d: {  	_ =	shalt  }
0x7e: {  	_ =	shalt  }
0x7f: {  	_ =	shalt  }
0x80: {  	_ =	shalt  }
0x81: {  	_ =	shalt  }
0x82: {  	_ =	shalt  }
0x83: {  	_ =	shalt  }
0x84: {  	_ =	shalt  }
0x85: {  	_ =	shalt  }
0x86: {  	_ =	shalt  }
0x87: {  	_ =	shalt  }
.Lfunc_end0:
.L_simem_size_0:
called_computation.1_lowered:
.L_overlay_start_0:
0x88: {  	s2 =	sld [smem:$0x3FD9]  }
0x89: {  	s3 =	sld [smem:$0x3FFE];
	_ =	sdelay $0x1  }
0x8a: {  	s1 =	srdreg.scid  }
0x8b: {  	s0 =	sand.u32 $0x1, s1  }
0x8c: {  	s18 =	sshll.u32 s0, $0xA;
	s2 =	sadd.s32 s3, s2  }
0x8d: {  	s3 =	sadd.s32 s2, s18  }
0x8e: {  	[smem:$0x3FC4] =	sst s3  }
0x8f: {  	_ = 	snop  }
0x90: {  	s3 =	sld [smem:$0x3FD0];
	(tm) =	ssettm $0x1  }
0x91: {  	s4 =	sld [smem:$0x3FFB];
	_ =	sdelay $0x3  }
0x92: {  	_ =	strace s4  }
0x93: {  	s4 =	sld [smem:$0x3FFC];
	_ =	sdelay $0x3  }
0x94: {  	_ =	strace s4  }
0x95: {  	s4 =	sld [smem:$0x3FFD];
	_ =	sdelay $0x3  }
0x96: {  	_ =	strace s4  }
0x97: {  	_ =	strace $0x8FFFFFFF  }
0x98: {  	s19 =	sld [smem:$0x3FDB];
	_ =	sdelay $0x1  }
0x99: {  	s5 =	simm.s32 $_scs_section_size  }
0x9a: {  	s6 =	simm.s32 $_size__tile_overlayer_lowered;
	s7 =	simm.s32 $_tile_overlayer_lowered  }
0x9b: {  	s22 =	simm.s32 $0x1BFF;
	s21 =	sshll.u32 s7, $0x1;
	s4 =	sadd.s32 s5, s19  }
0x9c: {  	s8 =	simm.s32 $0x0;
	s20 =	sshll.u32 s6, $0x1;
	s6 =	sadd.s32 s21, s4  }
0x9d: {  	[timem:s8], [sflag:s22] =	dma.local [hbm:s6], s20  }
0x9e: {  	_ =	swait.ge [sflag:s22], s20  }
0x9f: {  	s5 =	ssub.s32 $0x0, s20;
	[sflag:s22] =	ssyncset.done $0x0  }
0xa0: {  	[sflag:s22] =	ssyncadd.s32 s5;
	_ =	sdelay $0x1  }
0xa1: {  	s23 =	simm.s32 $0x1B8B  }
0xa2: {  	_ =	swait.ge [sflag:s23], $0x1  }
0xa3: {  	[sflag:s23] =	ssyncset.done $0x0  }
0xa4: {  	s25 =	simm.s32 $0x1B8E;
	s24 =	sld [smem:$0x3FFE];
	[sflag:s23] =	ssyncadd.s32 $0xFFFFFFFF  }
0xa5: {  	s26 =	simm.s32 $execute0_lowered;
	[smem:$0x3FD2] =	sst s25  }
0xa6: {  	s6 =	sshll.u32 s26, $0x1;
	_ =	strace $0x80000049;
	[dreg:$0x1] =	wrdreg $0xFFFFFFFF  }
0xa7: {  	s28 =	simm.s32 $_size_execute0_lowered;
	s4 =	sadd.s32 s4, s6;
	[dreg:$0x0] =	wrdreg $0x0  }
0xa8: {  	s6 =	sshll.u32 s28, $0x1;
	[dreg:$0x2] =	wrdreg s4  }
0xa9: {  	[dreg:$0x3] =	wrdreg s6  }
0xaa: {  	[dreg:$0x4] =	wrdreg $0xC0  }
0xab: {  	_ =	task [dreg:s8], $0x5FFFF  }
0xac: {  	[dreg:$0x1] =	wrdreg $0xFFFFFFFF  }
0xad: {  	[dreg:$0x0] =	wrdreg $0x60  }
0xae: {  	[dreg:$0x2] =	wrdreg s3  }
0xaf: {  	s2 =	sadd.s32 $0x800, s2;
	[dreg:$0x3] =	wrdreg s24  }
0xb0: {  	[dreg:$0x4] =	wrdreg s2  }
0xb1: {  	[dreg:$0x5] =	wrdreg $0x9  }
0xb2: {  	_ =	task.clear_ibuf [dreg:s8], $0x6FFFF;
	_ =	strace $0x90000049  }
0xb3: {  	s29 =	simm.s32 $0x9;
	_ =	strace $0x8000004B  }
0xb4: {  	_ =	swait.ge [sflag:s29], $0x1  }
0xb5: {  	[sflag:s29] =	ssyncadd.s32 $0xFFFFFFFF  }
0xb6: {  	_ =	strace $0x9000004B  }
0xb7: {  	_ =	sfence  }
0xb8: {  	s30 =	sld [smem:$0x0];
	_ =	sdelay $0x2  }
0xb9: {  	s31 =	sshll.u32 s1, $0xD;
	s1 =	sshrl.u32 s1, $0x2  }
0xba: {  	s3 =	sand.u32 $0x4000, s31;
	s1 =	sadd.s32 s1, s30  }
0xbb: {  	s0 =	sor.u32 s3, s0;
	s1 =	sshll.u32 s1, $0x11  }
0xbc: {  	s0 =	sor.u32 s1, s0  }
0xbd: {  	s0 =	sadd.s32 $0x8F2B, s0  }
0xbe: {  	[sflag:s0] =	ssyncadd.remote.s32 $0x1  }
0xbf: {  	_ =	sfence.sel $0xFFFF  }
0xc0: {  	[dreg:$0x0] =	wrdreg $0xFFFFFFFF;
	(pc) =	sbr.abs _section_cstart, $3  }
0xc1: {  	[dreg:$0x1] =	wrdreg $0xFFFFFFFF  }
0xc2: {  	_ =	task.clear_ibuf [dreg:s8], $0x2FFFF;
	_ =	strace $0x9FFFFFFF  }
0xc3: {  	(tm) =	ssettm $0x7FFFFFFF  }
tec
execute0_lowered:
.L_overlay_start_1:
0x0: {  	(tag) =	ssettag $0x1  }
0x1: {  	s0 =	srdreg.scid;
	s13 =	rddreg [dreg:$0x1]  }
0x2: {  	s4 =	rddreg [dreg:$0x2];
	s14 =	stileid.u32;
	s5 =	simm.s32 $0x0  }
0x3: {  	s16 =	simm.s32 $0x2;
	s29 =	simm.s32 $0x2E10;
	s30 =	simm.s32 $0x5810  }
0x4: {  	s31 =	simm.s32 $0x3610;
	s17 =	simm.s32 $0x5910;
	s0 =	sand.u32 $0x1, s0  }
0x5: {  	[smem:$0x7FF] =	sst s5;
	s6 =	sadd.s32 $0xC0A00, s13;
	s7 =	sadd.s32 $0x40A00, s13  }
0x6: {  	s8 =	sadd.s32 $0x100C00, s13;
	s12 =	sshll.u32 s14, $0x10;
	s22 =	sshllo.u32 s14, $0x1  }
0x7: {  	s23 =	sshll.u32 s14, $0x11;
	s1 =	sshll.u32 s0, $0x4;
	_ =	strace $0x8000004A  }
0x8: {  	s9 =	ssub.s32 $0x2, s0;
	s11 =	sshll.u32 s0, $0x14;
	s0 =	sshll.u32 s0, $0x15  }
0x9: {  	s24 =	sshll.u32 s22, $0xF;
	s1 =	sor.u32 s14, s1;
	s10 =	sshrl.u32 s9, $0x1  }
0xa: {  	s18 =	sor.u32 s12, s11;
	s12 =	simm.s32 $0x1DA10;
	s14 =	simm.s32 $0xDA10  }
0xb: {  	s2 =	smul.u32 $0x42, s1;
	s3 =	sshll.u32 s1, $0x3;
	s9 =	ssub.s32 s9, s10  }
0xc: {  	s20 =	sshrl.u32 s18, $0x3;
	s10 =	sshll.u32 s1, $0x10;
	s1 =	sshll.u32 s22, $0x10  }
0xd: {  	s18 =	simm.s32 $0xE10;
	s22 =	simm.s32 $0x1;
	s3 =	sadd.s32 s3, s13  }
0xe: {  	s21 =	sadd.s32 s8, s20;
	s28 =	smax.u32 s9, $0x1;
	s20 =	simm.s32 $0x5610  }
0xf: {  	s9 =	simm.s32 $0x5990;
	s2 =	sadd.s32 s2, s13;
	s13 =	sadd.s32 $0x140C00, s13  }
0x10: {  	s19 =	sadd.s32 $0x100A00, s3;
	[dreg:$0x6] =	wrdreg s21;
	s3 =	sor.u32 s11, s24  }
0x11: {  	[dreg:$0xa] =	wrdreg s28;
	s21 =	simm.s32 $0x80;
	s11 =	simm.s32 $0x4E10  }
0x12: {  	s2 =	sadd.s32 $0x40000, s2;
	[dreg:$0x5] =	wrdreg s19;
	s3 =	sshrl.u32 s3, $0x3  }
0x13: {  	s19 =	simm.s32 $0x1610;
	[dreg:$0x4] =	wrdreg s2;
	s2 =	sor.u32 s23, s0  }
.Ltmp0:
0x14: {  	s0 =	sor.u32 s0, s1;
	s26 =	sadd.s32 s8, s3;
	(pc) =	sbr.rel .LBB2_1-.Ltmp0, $4  }
0x15: {  	s1 =	simm.s32 $0x5890;
	s8 =	simm.s32 $0x4610;
	s2 =	sshrl.u32 s2, $0x3  }
0x16: {  	[dreg:$0x8] =	wrdreg s26;
	s0 =	sshrl.u32 s0, $0x3;
	s25 =	sadd.s32 s13, s2  }
0x17: {  	v0 =	vlaneseq.u32;
	v2 =	vimm.s32 $0xFFFFFFFF;
	s3 =	simm.s32 $0x0;
	s0 =	sadd.s32 s13, s0;
	[dreg:$0x7] =	wrdreg s25  }
0x18: {  	v3 =	vimm.f32 $0.0e+00;
	v1 =	vmul.u32 $0x21, v0;
	v4 =	vmul.u32 $0x10, v0;
	s2 =	simm.s32 $0x3E10;
	s13 =	simm.s32 $0x5A10;
	[dreg:$0x9] =	wrdreg s0  }
.LBB2_35:
0x19: {  	s0 =	rddreg [dreg:$0x8]  }
0x1a: {  	[hbm4b:s0+s5] =	stream.linear.scatter [tilespmem:s13], [sflag:$0x2], $0x8000, $0x38;
	[tilespmem:$0x1FA50] =	vst v63  }
0x1b: {  	_ =	swait.ge [sflag:s16], $0x8000  }
0x1c: {  	[sflag:s16] =	ssyncset.done $0x0  }
0x1d: {  	s26 =	rddreg [dreg:$0x9];
	[sflag:s16] =	ssyncadd.s32 $0xFFFF8000  }
0x1e: {  	[hbm4b:s26+s5] =	stream.linear.scatter [tilespmem:s14], [sflag:$0x2], $0x10000, $0x38;
	[tilespmem:$0x1FA50] =	vst v63  }
0x1f: {  	_ =	swait.ge [sflag:s16], $0x10000  }
0x20: {  	s3 =	rddreg [dreg:$0xb]  }
0x21: {  	s28 =	rddreg [dreg:$0xa];
	s3 =	sadd.s32 $0x1, s3  }
0x22: {  	p0 =	sne.s32 s3, s28  }
.Ltmp1:
0x23: {  	_ = 	snop;
	(pc) =	sbr.rel @!p0 .LBB2_36-.Ltmp1, $3  }
0x24: {  	_ =	sdelay $0x1  }
0x25: {  	[sflag:s16] =	ssyncset.done $0x0  }
0x26: {  	[sflag:s16] =	ssyncadd.s32 $0xFFFF0000  }
.LBB2_1:
0x27: {  	[dreg:$0xb] =	wrdreg s3  }
0x28: {  	s0 =	rddreg [dreg:$0x4]  }
0x29: {  	[tilespmem:s5], [sflag:$0x2] =	stream.linear.gather [hbm4b:s0+s5], $0x210, $0x38;
	[tilespmem:$0x1FA50] =	vst v63  }
0x2a: {  	_ =	swait.ge [sflag:s16], $0x210  }
0x2b: {  	[sflag:s16] =	ssyncset.done $0x0  }
0x2c: {  	s28 =	simm.s32 $0x1FA10;
	s26 =	rddreg [dreg:$0x5];
	[sflag:s16] =	ssyncadd.s32 $0xFFFFFDF0  }
0x2d: {  	[tilespmem:s28], [sflag:$0x2] =	stream.linear.gather [hbm4b:s26+s5], $0x40, $0x38;
	[tilespmem:$0x1FA50] =	vst v63  }
0x2e: {  	_ =	swait.ge [sflag:s16], $0x40  }
0x2f: {  	[sflag:s16] =	ssyncset.done $0x0  }
0x30: {  	s15 =	simm.s32 $0x0;
	[sflag:s16] =	ssyncadd.s32 $0xFFFFFFC0  }
.LBB2_2:
0x31: {  	s0 =	sshll.u32 s15, $0xA  }
0x32: {  	s25 =	sadd.s32 s10, s0  }
0x33: {  	s23 =	rddreg [dreg:$0x0];
	s24 =	sshrl.u32 s25, $0x3  }
0x34: {  	s3 =	simm.s32 $0x210;
	s0 =	simm.s32 $0x0;
	s23 =	sadd.s32 s23, s24  }
0x35: {  	[tilespmem:s3], [sflag:$0x2] =	stream.linear.gather [hbm4b:s23+s0], $0x400, $0x38;
	[tilespmem:$0x1FA50] =	vst v63  }
0x36: {  	_ =	swait.ge [sflag:s16], $0x400  }
0x37: {  	[sflag:s16] =	ssyncset.done $0x0  }
0x38: {  	[sflag:s16] =	ssyncadd.s32 $0xFFFFFC00  }
0x39: {  	s26 =	rddreg [dreg:$0x1]  }
0x3a: {  	s23 =	simm.s32 $0x610;
	s26 =	sadd.s32 s26, s24  }
0x3b: {  	[tilespmem:s23], [sflag:$0x2] =	stream.linear.gather [hbm4b:s26+s0], $0x400, $0x38;
	[tilespmem:$0x1FA50] =	vst v63  }
0x3c: {  	_ =	swait.ge [sflag:s16], $0x400  }
0x3d: {  	[sflag:s16] =	ssyncset.done $0x0  }
0x3e: {  	s28 =	sadd.s32 s6, s24;
	s24 =	simm.s32 $0xA10;
	[sflag:s16] =	ssyncadd.s32 $0xFFFFFC00  }
0x3f: {  	[tilespmem:s24], [sflag:$0x2] =	stream.linear.gather [hbm4b:s28+s0], $0x400, $0x38;
	[tilespmem:$0x1FA50] =	vst v63  }
0x40: {  	_ =	swait.ge [sflag:s16], $0x400  }
0x41: {  	s28 =	sshrl.u32 s25, $0x2;
	[sflag:s16] =	ssyncset.done $0x0  }
0x42: {  	s26 =	sadd.s32 s7, s28;
	[sflag:s16] =	ssyncadd.s32 $0xFFFFFC00  }
0x43: {  	[tilespmem:s18], [sflag:$0x2] =	stream.linear.gather [hbm4b:s26+s0], $0x800, $0x38;
	[tilespmem:$0x1FA50] =	vst v63  }
0x44: {  	_ =	swait.ge [sflag:s16], $0x800  }
0x45: {  	[sflag:s16] =	ssyncset.done $0x0  }
0x46: {  	[sflag:s16] =	ssyncadd.s32 $0xFFFFF800  }
0x47: {  	v6 =	vld [tilespmem:s23+$0x0]  }
0x48: {  	v7 =	vld [tilespmem:s3+$0x0];
	_ =	sdelay $0x1  }
0x49: {  	v8 =	vld [tilespmem:s24+$0x0];
	_ =	sdelay $0x2  }
0x4a: {  	v7 =	vshll.u32 v7, $0x12;
	v6 =	vshll.u32 v6, $0x9  }
0x4b: {  	v6 =	vadd.s32 v7, v6  }
0x4c: {  	v7 =	vadd.s32 v8, v6  }
0x4d: {  	v6 =	vshra.s32 v7, $0xF  }
0x4e: {  	v8 =	vadd.s32 v1, v6;
	_ =	sdelay $0x4  }
0x4f: {  	v6 =	vld.idx.msk [tilespmem:v8+s5+$0x0], $0xffff  }
0x50: {  	v9 =	vor.u32 s0, v0  }
0x51: {  	v10 =	vshll.u32 v9, $0x1  }
0x52: {  	v12 =	vshll.u32 v9, $0x4;
	v11 =	vor.u32 $0x1, v10  }
0x53: {  	v14 =	vor.u32 $0x1, v12  }
0x54: {  	v13 =	vadd.s32 $0x1, v6  }
0x55: {  	s26 =	simm.s32 $0x0;
	[tilespmem:v8+s5+$0x0] =	vst.idx.msk $0xffff, v13  }
0x56: {  	v5 =	vmov s25;
	v62 =	vor.u32 $0x2, v12;
	s28 =	sand.u32 $0x70, s0;
	s24 =	sand.u32 $0xFFFFFF80, s26;
	v7 =	vand.u32 $0x7FFF, v7;
	v8 =	vld.idx.msk [tilespmem:v10+s18+$0x0], $0xffff  }
0x57: {  	v63 =	vor.u32 $0x3, v12;
	s25 =	sor.u32 s28, s24;
	v11 =	vld.idx.msk [tilespmem:v11+s18+$0x0], $0xffff;
	[tilespmem:v12+s19+$0x0] =	vst.idx.msk $0xffff, v7;
	v7 =	vor.u32 v5, v9  }
0x58: {  	[tilespmem:v14+s19+$0x0] =	vst.idx.msk $0xffff, v7;
	v7 =	vor.u32 s25, v0;
	_ =	sdelay $0x2  }
0x59: {  	[tilespmem:v62+s19+$0x0] =	vst.idx.msk $0xffff, v8  }
0x5a: {  	s24 =	simm.s32 $0x1;
	s25 =	simm.s32 $0xA20;
	[tilespmem:v63+s19+$0x0] =	vst.idx.msk $0xffff, v11  }
.LBB2_3:
0x5b: {  	[tilespmem:v7+s20+$0x0] =	vst.idx.msk $0xffff, v6;
	s0 =	sadd.s32 $0x10, s0;
	s3 =	sadd.s32 $0x10, s3;
	s23 =	sadd.s32 $0x10, s23  }
0x5c: {  	p0 =	seq.s32 s24, $0x3F;
	s26 =	smov.u32 s24;
	s24 =	sadd.s32 $0x1, s24;
	v6 =	vld [tilespmem:s23+$0x0]  }
0x5d: {  	v7 =	vld [tilespmem:s3+$0x0];
	_ =	sdelay $0x1  }
0x5e: {  	v8 =	vld [tilespmem:s25+$0x0];
	_ =	sdelay $0x2  }
0x5f: {  	v6 =	vshll.u32 v6, $0x9;
	v7 =	vshll.u32 v7, $0x12  }
0x60: {  	v6 =	vadd.s32 v7, v6  }
0x61: {  	v7 =	vadd.s32 v8, v6  }
0x62: {  	v6 =	vshra.s32 v7, $0xF  }
0x63: {  	v8 =	vadd.s32 v1, v6;
	_ =	sdelay $0x4  }
0x64: {  	v6 =	vld.idx.msk [tilespmem:v8+s5+$0x0], $0xffff;
	_ =	sdelay $0x1  }
0x65: {  	v9 =	vor.u32 s0, v0  }
0x66: {  	v10 =	vshll.u32 v9, $0x1  }
0x67: {  	v11 =	vor.u32 $0x1, v10  }
0x68: {  	v12 =	vshll.u32 v9, $0x4  }
0x69: {  	v14 =	vor.u32 $0x1, v12;
	v13 =	vadd.s32 $0x1, v6  }
0x6a: {  	[tilespmem:v8+s5+$0x0] =	vst.idx.msk $0xffff, v13  }
0x6b: {  	s26 =	sshll.u32 s26, $0x4;
	v8 =	vld.idx.msk [tilespmem:v10+s18+$0x0], $0xffff  }
0x6c: {  	s28 =	sand.u32 $0x70, s0;
	s26 =	sand.u32 $0xFFFFFF80, s26;
	v7 =	vand.u32 $0x7FFF, v7;
	v10 =	vld.idx.msk [tilespmem:v11+s18+$0x0], $0xffff;
	v11 =	vor.u32 $0x2, v12  }
0x6d: {  	s26 =	sor.u32 s28, s26;
	[tilespmem:v12+s19+$0x0] =	vst.idx.msk $0xffff, v7;
	v7 =	vor.u32 v5, v9;
	v9 =	vor.u32 $0x3, v12  }
.Ltmp2:
0x6e: {  	[tilespmem:v14+s19+$0x0] =	vst.idx.msk $0xffff, v7;
	v7 =	vor.u32 s26, v0;
	(pc) =	sbr.rel @!p0 .LBB2_3-.Ltmp2, $3  }
0x6f: {  	_ =	sdelay $0x1  }
0x70: {  	[tilespmem:v11+s19+$0x0] =	vst.idx.msk $0xffff, v8  }
0x71: {  	s25 =	sadd.s32 $0x10, s25;
	[tilespmem:v9+s19+$0x0] =	vst.idx.msk $0xffff, v10  }
0x72: {  	_ =	sdelay $0x3  }
0x73: {  	[tilespmem:v7+s20+$0x0] =	vst.idx.msk $0xffff, v6  }
0x74: {  	[hbm4b:s4+s21] =	stream.indirect.scatter [tilespmem:s19], [sflag:$0x1], $0x10, s20, s21, $0xb8;
	[tilespmem:$0x1FA50] =	vst v63  }
0x75: {  	_ =	swait.ge [sflag:s22], $0x800  }
0x76: {  	[sflag:s22] =	ssyncset.done $0x0  }
0x77: {  	s0 =	simm.s32 $0x5690;
	s3 =	simm.s32 $0x1E10;
	[sflag:s22] =	ssyncadd.s32 $0xFFFFF800  }
0x78: {  	[hbm4b:s4+s21] =	stream.indirect.scatter [tilespmem:s3], [sflag:$0x1], $0x10, s0, s21, $0xb8;
	[tilespmem:$0x1FA50] =	vst v63  }
0x79: {  	_ =	swait.ge [sflag:s22], $0x800  }
0x7a: {  	[sflag:s22] =	ssyncset.done $0x0  }
0x7b: {  	s25 =	simm.s32 $0x5710;
	s26 =	simm.s32 $0x2610;
	[sflag:s22] =	ssyncadd.s32 $0xFFFFF800  }
0x7c: {  	[hbm4b:s4+s21] =	stream.indirect.scatter [tilespmem:s26], [sflag:$0x1], $0x10, s25, s21, $0xb8;
	[tilespmem:$0x1FA50] =	vst v63  }
0x7d: {  	_ =	swait.ge [sflag:s22], $0x800  }
0x7e: {  	[sflag:s22] =	ssyncset.done $0x0  }
0x7f: {  	s28 =	simm.s32 $0x5790;
	[sflag:s22] =	ssyncadd.s32 $0xFFFFF800  }
0x80: {  	[hbm4b:s4+s21] =	stream.indirect.scatter [tilespmem:s29], [sflag:$0x1], $0x10, s28, s21, $0xb8;
	[tilespmem:$0x1FA50] =	vst v63  }
0x81: {  	_ =	swait.ge [sflag:s22], $0x800  }
0x82: {  	[sflag:s22] =	ssyncset.done $0x0  }
0x83: {  	[sflag:s22] =	ssyncadd.s32 $0xFFFFF800  }
0x84: {  	[hbm4b:s4+s21] =	stream.indirect.scatter [tilespmem:s31], [sflag:$0x1], $0x10, s30, s21, $0xb8;
	[tilespmem:$0x1FA50] =	vst v63  }
0x85: {  	_ =	swait.ge [sflag:s22], $0x800  }
0x86: {  	[sflag:s22] =	ssyncset.done $0x0  }
0x87: {  	[sflag:s22] =	ssyncadd.s32 $0xFFFFF800  }
0x88: {  	[hbm4b:s4+s21] =	stream.indirect.scatter [tilespmem:s2], [sflag:$0x1], $0x10, s1, s21, $0xb8;
	[tilespmem:$0x1FA50] =	vst v63  }
0x89: {  	_ =	swait.ge [sflag:s22], $0x800  }
0x8a: {  	[sflag:s22] =	ssyncset.done $0x0  }
0x8b: {  	[sflag:s22] =	ssyncadd.s32 $0xFFFFF800  }
0x8c: {  	[hbm4b:s4+s21] =	stream.indirect.scatter [tilespmem:s8], [sflag:$0x1], $0x10, s17, s21, $0xb8;
	[tilespmem:$0x1FA50] =	vst v63  }
0x8d: {  	s15 =	sadd.s32 $0x1, s15;
	_ =	swait.ge [sflag:s22], $0x800  }
0x8e: {  	p0 =	seq.s32 s15, $0x40;
	[sflag:s22] =	ssyncset.done $0x0  }
.Ltmp3:
0x8f: {  	[sflag:s22] =	ssyncadd.s32 $0xFFFFF800;
	(pc) =	sbr.rel @!p0 .LBB2_2-.Ltmp3, $4  }
0x90: {  	[hbm4b:s4+s21] =	stream.indirect.scatter [tilespmem:s11], [sflag:$0x1], $0x10, s9, s21, $0xb8;
	[tilespmem:$0x1FA50] =	vst v63  }
0x91: {  	_ =	swait.ge [sflag:s22], $0x800  }
0x92: {  	[sflag:s22] =	ssyncset.done $0x0  }
0x93: {  	[sflag:s22] =	ssyncadd.s32 $0xFFFFF800  }
0x94: {  	[bflag:$0x0] =	sbarrier.arrive $0xFFFF  }
0x95: {  	v5 =	vld [tilespmem:$0x1FA10];
	_ =	sdelay $0x4  }
0x96: {  	v5 =	vxor.u32 $0x80000000, v5  }
0x97: {  	(xrf0) =	vmax.scan.msk.u32 $0xffff, v5;
	_ =	sdelay $0x5  }
0x98: {  	v5, _, _ =	vpop (xrf0)  }
0x99: {  	(v2sf) =	vpush v5, $0xF;
	_ =	sdelay $0xe  }
0x9a: {  	s0 =	simm.s32 $0x40;
	s3 =	simm.s32 $0x0;
	v5 =	vld [tilespmem:$0x1FA20];
	s15 =	spop (v2sf)  }
.LBB2_6:
0x9b: {  	p0 =	sne.s32 s0, $0x1FFC0;
	[tilespmem:s3+$0x5A10] =	vst v2;
	s3 =	smov.u32 s0;
	s0 =	sadd.s32 $0x40, s0  }
.Ltmp4:
0x9c: {  	(pc) =	sbr.rel @p0 .LBB2_6-.Ltmp4, $2  }
0x9d: {  	_ =	sdelay $0x2  }
0x9e: {  	s3 =	sshra.s32 s3, $0x2  }
0x9f: {  	[tilespmem:s3+$0x5A10] =	vst v2;
	s0 =	simm.s32 $0x40;
	s3 =	simm.s32 $0x0  }
.LBB2_8:
0xa0: {  	p0 =	sne.s32 s0, $0x3FFC0;
	[tilespmem:s3+$0xDA10] =	vst v3;
	s3 =	smov.u32 s0;
	s0 =	sadd.s32 $0x40, s0  }
.Ltmp5:
0xa1: {  	(pc) =	sbr.rel @p0 .LBB2_8-.Ltmp5, $2  }
0xa2: {  	_ =	sdelay $0x2  }
0xa3: {  	s3 =	sshra.s32 s3, $0x2  }
0xa4: {  	v5 =	vxor.u32 $0x80000000, v5  }
0xa5: {  	(xrf0) =	vmax.scan.msk.u32 $0xffff, v5;
	_ =	sdelay $0x5  }
0xa6: {  	v5, _, _ =	vpop (xrf0)  }
0xa7: {  	(v2sf) =	vpush v5, $0xF;
	_ =	sdelay $0xe  }
0xa8: {  	s23 =	spop (v2sf)  }
0xa9: {  	s0 =	sadd.s32 $0x800001FF, s23  }
0xaa: {  	s24 =	sand.u32 $0x1FF, s0  }
0xab: {  	s28 =	sshra.s32 s0, $0x1F;
	p1 =	slt.s32 s0, $0x1;
	p0 =	sne.s32 s24, $0x0  }
0xac: {  	s24 =	sshrl.u32 s28, $0x17;
	p0 =	por !p1, !p0  }
0xad: {  	s0 =	sadd.s32 s24, s0;
	s24 =	simm.s32 $0x1;
	p0 =	por !p0, !p0  }
0xae: {  	s0 =	sshra.s32 s0, $0x9;
	s24 =	simm.s32 @!p0 $0x0  }
0xaf: {  	s0 =	ssub.s32 s0, s24  }
0xb0: {  	p0 =	slt.s32 s0, $0x1  }
.Ltmp6:
0xb1: {  	_ = 	snop;
	(pc) =	sbr.rel @p0 .LBB2_20-.Ltmp6, $2  }
0xb2: {  	_ =	sdelay $0x2  }
0xb3: {  	[tilespmem:s3+$0xDA10] =	vst v3  }
.Ltmp7:
0xb4: {  	(pc) =	sbr.rel .LBB2_11-.Ltmp7, $3  }
0xb5: {  	_ =	sdelay $0x1  }
0xb6: {  	s3 =	sxor.u32 $0x80000000, s23  }
0xb7: {  	s23 =	simm.s32 $0x0;
	v5 =	vmov s3;
	s3 =	simm.s32 $0x0  }
.LBB2_15:
0xb8: {  	s23 =	sadd.s32 $0x1, s23  }
0xb9: {  	p0 =	sne.s32 s23, s0  }
.Ltmp8:
0xba: {  	_ = 	snop;
	(pc) =	sbr.rel @!p0 .LBB2_16-.Ltmp8, $2  }
0xbb: {  	_ =	sdelay $0x2  }
0xbc: {  	s24 =	simm.s32 $0x0  }
.LBB2_11:
0xbd: {  	s24 =	sshll.u32 s23, $0x9  }
0xbe: {  	s25 =	sadd.s32 s15, s24  }
0xbf: {  	s25 =	sshll.u32 s25, $0x1  }
0xc0: {  	s25 =	sand.u32 $0x1FFFFFF0, s25  }
.Ltmp9:
0xc1: {  	s25 =	sadd.s32 s25, s4;
	(pc) =	sbr.rel .LBB2_12-.Ltmp9, $4  }
0xc2: {  	[tilespmem:s12], [sflag:$0x2] =	stream.linear.gather [hbm4b:s25+s3], $0x2000, $0x38;
	[tilespmem:$0x1FA50] =	vst v63  }
0xc3: {  	_ =	swait.ge [sflag:s16], $0x2000  }
0xc4: {  	[sflag:s16] =	ssyncset.done $0x0  }
0xc5: {  	v6 =	vor.u32 s24, v0;
	s24 =	simm.s32 $0x0;
	[sflag:s16] =	ssyncadd.s32 $0xFFFFE000  }
.LBB2_14:
0xc6: {  	s24 =	sadd.s32 $0x1, s24  }
0xc7: {  	p0 =	sne.s32 s24, $0x20  }
.Ltmp10:
0xc8: {  	_ = 	snop;
	(pc) =	sbr.rel @!p0 .LBB2_15-.Ltmp10, $1  }
0xc9: {  	_ =	sdelay $0x3  }
.LBB2_12:
0xca: {  	s25 =	sshll.u32 s24, $0x4  }
0xcb: {  	v7 =	vmov s25  }
0xcc: {  	v7 =	vshll.u32 v7, $0x4  }
0xcd: {  	v7 =	vor.u32 v4, v7;
	_ =	sdelay $0x4  }
0xce: {  	v8 =	vld.idx.msk [tilespmem:v7+s12+$0x0], $0xffff;
	_ =	sdelay $0x3  }
0xcf: {  	v9 =	vor.u32 $0x1, v7  }
0xd0: {  	v7 =	vand.u32 $0x7FFF, v8;
	_ =	sdelay $0x3  }
0xd1: {  	v8 =	vld.idx.msk [tilespmem:v9+s12+$0x0], $0xffff  }
0xd2: {  	v9 =	vld.idx.msk [tilespmem:v7+s13+$0x0], $0xffff;
	_ =	sdelay $0x1  }
0xd3: {  	v10 =	vor.u32 s25, v6  }
0xd4: {  	vm0 =	vlt.s32 v10, v5  }
0xd5: {  	v8 =	vnsel vm0, $0xFFFFFFFF, v8  }
0xd6: {  	vm0 =	vgt.s32 v8, v9  }
0xd7: {  	v9 =	vsel vm0, $0x3F800000, v3  }
0xd8: {  	(xrf0) =	vmax.scan.msk.f32 $0xffff, v9;
	_ =	sdelay $0x5  }
0xd9: {  	v9, _, _ =	vpop (xrf0)  }
0xda: {  	(v2sf) =	vpush v9, $0xF;
	_ =	sdelay $0xe  }
0xdb: {  	s28 =	spop (v2sf)  }
0xdc: {  	p0 =	sgt.f32 s28, $0.0e+00  }
.Ltmp11:
0xdd: {  	_ = 	snop;
	(pc) =	sbr.rel @!p0 .LBB2_14-.Ltmp11, $1  }
0xde: {  	_ =	sdelay $0x3  }
.LBB2_13:
0xdf: {  	[tilespmem:v7+s13+$0x0] =	vst.idx.msk vm0, v8  }
0xe0: {  	v9 =	vld.idx.msk [tilespmem:v7+s13+$0x0], $0xffff;
	_ =	sdelay $0x4  }
0xe1: {  	vm0 =	vgt.s32 v8, v9  }
0xe2: {  	v9 =	vsel vm0, $0x3F800000, v3  }
0xe3: {  	(xrf0) =	vmax.scan.msk.f32 $0xffff, v9;
	_ =	sdelay $0x5  }
0xe4: {  	v9, _, _ =	vpop (xrf0)  }
0xe5: {  	(v2sf) =	vpush v9, $0xF;
	_ =	sdelay $0xe  }
0xe6: {  	s25 =	spop (v2sf)  }
0xe7: {  	p0 =	sgt.f32 s25, $0.0e+00  }
.Ltmp12:
0xe8: {  	_ = 	snop;
	(pc) =	sbr.rel @p0 .LBB2_13-.Ltmp12, $1  }
0xe9: {  	_ =	sdelay $0x3  }
.Ltmp13:
0xea: {  	_ = 	snop;
	(pc) =	sbr.rel .LBB2_14-.Ltmp13, $1  }
0xeb: {  	_ =	sdelay $0x3  }
.LBB2_16:
0xec: {  	s3 =	simm.s32 $0x0  }
.LBB2_17:
0xed: {  	s23 =	sshll.u32 s3, $0x9  }
0xee: {  	s25 =	sadd.s32 s15, s23  }
0xef: {  	s25 =	sshll.u32 s25, $0x1  }
0xf0: {  	s25 =	sand.u32 $0x1FFFFFF0, s25  }
0xf1: {  	s25 =	sadd.s32 s25, s4  }
0xf2: {  	[tilespmem:s12], [sflag:$0x2] =	stream.linear.gather [hbm4b:s25+s24], $0x2000, $0x38;
	[tilespmem:$0x1FA50] =	vst v63  }
0xf3: {  	_ =	swait.ge [sflag:s16], $0x2000  }
0xf4: {  	[sflag:s16] =	ssyncset.done $0x0  }
0xf5: {  	v6 =	vor.u32 s23, v0;
	s23 =	simm.s32 $0x0;
	[sflag:s16] =	ssyncadd.s32 $0xFFFFE000  }
.LBB2_18:
0xf6: {  	v7 =	vmov s23  }
0xf7: {  	v7 =	vshll.u32 v7, $0x4  }
0xf8: {  	v7 =	vor.u32 v4, v7;
	_ =	sdelay $0x4  }
0xf9: {  	v8 =	vld.idx.msk [tilespmem:v7+s12+$0x0], $0xffff;
	_ =	sdelay $0x3  }
0xfa: {  	v9 =	vor.u32 $0x1, v7  }
0xfb: {  	v10 =	vand.u32 $0x7FFF, v8;
	_ =	sdelay $0x3  }
0xfc: {  	v9 =	vld.idx.msk [tilespmem:v9+s12+$0x0], $0xffff  }
0xfd: {  	v10 =	vld.idx.msk [tilespmem:v10+s13+$0x0], $0xffff;
	_ =	sdelay $0x1  }
0xfe: {  	v11 =	vor.u32 s23, v6;
	v12 =	vor.u32 $0x2, v7  }
0xff: {  	vm0 =	vlt.s32 v11, v5;
	v7 =	vor.u32 $0x3, v7  }
0x100: {  	v9 =	vnsel vm0, $0xFFFFFFFF, v9  }
0x101: {  	vm1 =	veq.s32 v9, v10  }
0x102: {  	v8 =	vshll.u32 v8, $0x1;
	vm0 =	vmand vm0, vm1  }
0x103: {  	v62 =	vld.idx.msk [tilespmem:v12+s12+$0x0], $0xffff;
	v8 =	vand.u32 $0xFFFE, v8  }
0x104: {  	p0 =	sne.s32 s23, $0x1F0;
	v7 =	vld.idx.msk [tilespmem:v7+s12+$0x0], $0xffff;
	v63 =	vor.u32 $0x1, v8  }
.Ltmp14:
0x105: {  	_ = 	snop;
	(pc) =	sbr.rel @p0 .LBB2_18-.Ltmp14, $3  }
0x106: {  	_ =	sdelay $0x1  }
0x107: {  	[tilespmem:v8+s14+$0x0] =	vst.idx.msk vm0, v62  }
0x108: {  	s23 =	sadd.s32 $0x10, s23;
	[tilespmem:v63+s14+$0x0] =	vst.idx.msk vm0, v7  }
0x109: {  	s3 =	sadd.s32 $0x1, s3  }
0x10a: {  	p0 =	sne.s32 s3, s0  }
.Ltmp15:
0x10b: {  	_ = 	snop;
	(pc) =	sbr.rel @p0 .LBB2_17-.Ltmp15, $1  }
0x10c: {  	_ =	sdelay $0x3  }
.LBB2_20:
0x10d: {  	s0 =	simm.s32 $0x0;
	s3 =	rddreg [dreg:$0x6]  }
0x10e: {  	[hbm4b:s3+s0] =	stream.linear.scatter [tilespmem:s13], [sflag:$0x2], $0x8000, $0x38;
	[tilespmem:$0x1FA50] =	vst v63  }
0x10f: {  	_ =	swait.ge [sflag:s16], $0x8000  }
0x110: {  	[sflag:s16] =	ssyncset.done $0x0  }
0x111: {  	s28 =	rddreg [dreg:$0x7];
	[sflag:s16] =	ssyncadd.s32 $0xFFFF8000  }
0x112: {  	[hbm4b:s28+s0] =	stream.linear.scatter [tilespmem:s14], [sflag:$0x2], $0x10000, $0x38;
	[tilespmem:$0x1FA50] =	vst v63  }
0x113: {  	_ =	swait.ge [sflag:s16], $0x10000  }
0x114: {  	[sflag:s16] =	ssyncset.done $0x0  }
0x115: {  	[sflag:s16] =	ssyncadd.s32 $0xFFFF0000  }
0x116: {  	v5 =	vld [tilespmem:$0x1FA30];
	_ =	sdelay $0x4  }
0x117: {  	v5 =	vxor.u32 $0x80000000, v5  }
0x118: {  	(xrf0) =	vmax.scan.msk.u32 $0xffff, v5;
	_ =	sdelay $0x5  }
0x119: {  	v5, _, _ =	vpop (xrf0)  }
0x11a: {  	(v2sf) =	vpush v5, $0xF;
	_ =	sdelay $0xe  }
0x11b: {  	s3 =	simm.s32 $0x0;
	s0 =	simm.s32 $0x40;
	v5 =	vld [tilespmem:$0x1FA40];
	s15 =	spop (v2sf)  }
.LBB2_21:
0x11c: {  	p0 =	sne.s32 s0, $0x1FFC0;
	[tilespmem:s3+$0x5A10] =	vst v2;
	s3 =	smov.u32 s0;
	s0 =	sadd.s32 $0x40, s0  }
.Ltmp16:
0x11d: {  	(pc) =	sbr.rel @p0 .LBB2_21-.Ltmp16, $2  }
0x11e: {  	_ =	sdelay $0x2  }
0x11f: {  	s3 =	sshra.s32 s3, $0x2  }
0x120: {  	[tilespmem:s3+$0x5A10] =	vst v2;
	s0 =	simm.s32 $0x40;
	s3 =	simm.s32 $0x0  }
.LBB2_23:
0x121: {  	p0 =	sne.s32 s0, $0x3FFC0;
	[tilespmem:s3+$0xDA10] =	vst v3;
	s3 =	smov.u32 s0;
	s0 =	sadd.s32 $0x40, s0  }
.Ltmp17:
0x122: {  	(pc) =	sbr.rel @p0 .LBB2_23-.Ltmp17, $2  }
0x123: {  	_ =	sdelay $0x2  }
0x124: {  	s3 =	sshra.s32 s3, $0x2  }
0x125: {  	v5 =	vxor.u32 $0x80000000, v5  }
0x126: {  	(xrf0) =	vmax.scan.msk.u32 $0xffff, v5;
	_ =	sdelay $0x5  }
0x127: {  	v5, _, _ =	vpop (xrf0)  }
0x128: {  	(v2sf) =	vpush v5, $0xF;
	_ =	sdelay $0xe  }
0x129: {  	s23 =	spop (v2sf)  }
0x12a: {  	s0 =	sadd.s32 $0x800001FF, s23  }
0x12b: {  	s24 =	sand.u32 $0x1FF, s0  }
0x12c: {  	s28 =	sshra.s32 s0, $0x1F;
	p1 =	slt.s32 s0, $0x1;
	p0 =	sne.s32 s24, $0x0  }
0x12d: {  	s24 =	sshrl.u32 s28, $0x17;
	p0 =	por !p1, !p0  }
0x12e: {  	s0 =	sadd.s32 s24, s0;
	s24 =	simm.s32 $0x1;
	p0 =	por !p0, !p0  }
0x12f: {  	s0 =	sshra.s32 s0, $0x9;
	s24 =	simm.s32 @!p0 $0x0  }
0x130: {  	s0 =	ssub.s32 s0, s24  }
0x131: {  	p0 =	slt.s32 s0, $0x1  }
.Ltmp18:
0x132: {  	_ = 	snop;
	(pc) =	sbr.rel @p0 .LBB2_35-.Ltmp18, $2  }
0x133: {  	_ =	sdelay $0x2  }
0x134: {  	[tilespmem:s3+$0xDA10] =	vst v3  }
.Ltmp19:
0x135: {  	(pc) =	sbr.rel .LBB2_26-.Ltmp19, $3  }
0x136: {  	_ =	sdelay $0x1  }
0x137: {  	s3 =	sxor.u32 $0x80000000, s23  }
0x138: {  	s23 =	simm.s32 $0x0;
	v5 =	vmov s3;
	s3 =	simm.s32 $0x0  }
.LBB2_30:
0x139: {  	s23 =	sadd.s32 $0x1, s23  }
0x13a: {  	p0 =	sne.s32 s23, s0  }
.Ltmp20:
0x13b: {  	_ = 	snop;
	(pc) =	sbr.rel @!p0 .LBB2_31-.Ltmp20, $2  }
0x13c: {  	_ =	sdelay $0x2  }
0x13d: {  	s24 =	simm.s32 $0x0  }
.LBB2_26:
0x13e: {  	s24 =	sshll.u32 s23, $0x9  }
0x13f: {  	s25 =	sadd.s32 s15, s24  }
0x140: {  	s25 =	sshll.u32 s25, $0x1  }
0x141: {  	s25 =	sand.u32 $0x1FFFFFF0, s25  }
.Ltmp21:
0x142: {  	s25 =	sadd.s32 s25, s4;
	(pc) =	sbr.rel .LBB2_27-.Ltmp21, $4  }
0x143: {  	[tilespmem:s12], [sflag:$0x2] =	stream.linear.gather [hbm4b:s25+s3], $0x2000, $0x38;
	[tilespmem:$0x1FA50] =	vst v63  }
0x144: {  	_ =	swait.ge [sflag:s16], $0x2000  }
0x145: {  	[sflag:s16] =	ssyncset.done $0x0  }
0x146: {  	v6 =	vor.u32 s24, v0;
	s24 =	simm.s32 $0x0;
	[sflag:s16] =	ssyncadd.s32 $0xFFFFE000  }
.LBB2_29:
0x147: {  	s24 =	sadd.s32 $0x1, s24  }
0x148: {  	p0 =	sne.s32 s24, $0x20  }
.Ltmp22:
0x149: {  	_ = 	snop;
	(pc) =	sbr.rel @!p0 .LBB2_30-.Ltmp22, $1  }
0x14a: {  	_ =	sdelay $0x3  }
.LBB2_27:
0x14b: {  	s25 =	sshll.u32 s24, $0x4  }
0x14c: {  	v7 =	vmov s25  }
0x14d: {  	v7 =	vshll.u32 v7, $0x4  }
0x14e: {  	v7 =	vor.u32 v4, v7;
	_ =	sdelay $0x4  }
0x14f: {  	v8 =	vld.idx.msk [tilespmem:v7+s12+$0x0], $0xffff;
	_ =	sdelay $0x3  }
0x150: {  	v9 =	vor.u32 $0x1, v7  }
0x151: {  	v7 =	vand.u32 $0x7FFF, v8;
	_ =	sdelay $0x3  }
0x152: {  	v8 =	vld.idx.msk [tilespmem:v9+s12+$0x0], $0xffff  }
0x153: {  	v9 =	vld.idx.msk [tilespmem:v7+s13+$0x0], $0xffff;
	_ =	sdelay $0x1  }
0x154: {  	v10 =	vor.u32 s25, v6  }
0x155: {  	vm0 =	vlt.s32 v10, v5  }
0x156: {  	v8 =	vnsel vm0, $0xFFFFFFFF, v8  }
0x157: {  	vm0 =	vgt.s32 v8, v9  }
0x158: {  	v9 =	vsel vm0, $0x3F800000, v3  }
0x159: {  	(xrf0) =	vmax.scan.msk.f32 $0xffff, v9;
	_ =	sdelay $0x5  }
0x15a: {  	v9, _, _ =	vpop (xrf0)  }
0x15b: {  	(v2sf) =	vpush v9, $0xF;
	_ =	sdelay $0xe  }
0x15c: {  	s28 =	spop (v2sf)  }
0x15d: {  	p0 =	sgt.f32 s28, $0.0e+00  }
.Ltmp23:
0x15e: {  	_ = 	snop;
	(pc) =	sbr.rel @!p0 .LBB2_29-.Ltmp23, $1  }
0x15f: {  	_ =	sdelay $0x3  }
.LBB2_28:
0x160: {  	[tilespmem:v7+s13+$0x0] =	vst.idx.msk vm0, v8  }
0x161: {  	v9 =	vld.idx.msk [tilespmem:v7+s13+$0x0], $0xffff;
	_ =	sdelay $0x4  }
0x162: {  	vm0 =	vgt.s32 v8, v9  }
0x163: {  	v9 =	vsel vm0, $0x3F800000, v3  }
0x164: {  	(xrf0) =	vmax.scan.msk.f32 $0xffff, v9;
	_ =	sdelay $0x5  }
0x165: {  	v9, _, _ =	vpop (xrf0)  }
0x166: {  	(v2sf) =	vpush v9, $0xF;
	_ =	sdelay $0xe  }
0x167: {  	s25 =	spop (v2sf)  }
0x168: {  	p0 =	sgt.f32 s25, $0.0e+00  }
.Ltmp24:
0x169: {  	_ = 	snop;
	(pc) =	sbr.rel @p0 .LBB2_28-.Ltmp24, $1  }
0x16a: {  	_ =	sdelay $0x3  }
.Ltmp25:
0x16b: {  	_ = 	snop;
	(pc) =	sbr.rel .LBB2_29-.Ltmp25, $1  }
0x16c: {  	_ =	sdelay $0x3  }
.LBB2_31:
0x16d: {  	s3 =	simm.s32 $0x0  }
.LBB2_32:
0x16e: {  	s23 =	sshll.u32 s3, $0x9  }
0x16f: {  	s25 =	sadd.s32 s15, s23  }
0x170: {  	s25 =	sshll.u32 s25, $0x1  }
0x171: {  	s25 =	sand.u32 $0x1FFFFFF0, s25  }
0x172: {  	s25 =	sadd.s32 s25, s4  }
0x173: {  	[tilespmem:s12], [sflag:$0x2] =	stream.linear.gather [hbm4b:s25+s24], $0x2000, $0x38;
	[tilespmem:$0x1FA50] =	vst v63  }
0x174: {  	_ =	swait.ge [sflag:s16], $0x2000  }
0x175: {  	[sflag:s16] =	ssyncset.done $0x0  }
0x176: {  	v6 =	vor.u32 s23, v0;
	s23 =	simm.s32 $0x0;
	[sflag:s16] =	ssyncadd.s32 $0xFFFFE000  }
.LBB2_33:
0x177: {  	v7 =	vmov s23  }
0x178: {  	v7 =	vshll.u32 v7, $0x4  }
0x179: {  	v7 =	vor.u32 v4, v7;
	_ =	sdelay $0x4  }
0x17a: {  	v8 =	vld.idx.msk [tilespmem:v7+s12+$0x0], $0xffff;
	_ =	sdelay $0x3  }
0x17b: {  	v9 =	vor.u32 $0x1, v7  }
0x17c: {  	v10 =	vand.u32 $0x7FFF, v8;
	_ =	sdelay $0x3  }
0x17d: {  	v9 =	vld.idx.msk [tilespmem:v9+s12+$0x0], $0xffff  }
0x17e: {  	v10 =	vld.idx.msk [tilespmem:v10+s13+$0x0], $0xffff;
	_ =	sdelay $0x1  }
0x17f: {  	v11 =	vor.u32 s23, v6;
	v12 =	vor.u32 $0x2, v7  }
0x180: {  	vm0 =	vlt.s32 v11, v5;
	v7 =	vor.u32 $0x3, v7  }
0x181: {  	v9 =	vnsel vm0, $0xFFFFFFFF, v9  }
0x182: {  	vm1 =	veq.s32 v9, v10  }
0x183: {  	v8 =	vshll.u32 v8, $0x1;
	vm0 =	vmand vm0, vm1  }
0x184: {  	v62 =	vld.idx.msk [tilespmem:v12+s12+$0x0], $0xffff;
	v8 =	vand.u32 $0xFFFE, v8  }
0x185: {  	p0 =	sne.s32 s23, $0x1F0;
	v7 =	vld.idx.msk [tilespmem:v7+s12+$0x0], $0xffff;
	v63 =	vor.u32 $0x1, v8  }
.Ltmp26:
0x186: {  	_ = 	snop;
	(pc) =	sbr.rel @p0 .LBB2_33-.Ltmp26, $3  }
0x187: {  	_ =	sdelay $0x1  }
0x188: {  	[tilespmem:v8+s14+$0x0] =	vst.idx.msk vm0, v62  }
0x189: {  	s23 =	sadd.s32 $0x10, s23;
	[tilespmem:v63+s14+$0x0] =	vst.idx.msk vm0, v7  }
0x18a: {  	s3 =	sadd.s32 $0x1, s3  }
0x18b: {  	p0 =	sne.s32 s3, s0  }
.Ltmp27:
0x18c: {  	_ = 	snop;
	(pc) =	sbr.rel @p0 .LBB2_32-.Ltmp27, $4  }
.Ltmp28:
0x18d: {  	_ = 	snop;
	(pc) =	sbr.rel @!p0 .LBB2_35-.Ltmp28, $4  }
0x18e: {  	_ = 	snop  }
0x18f: {  	_ = 	snop  }
0x190: {  	_ = 	snop  }
0x191: {  	_ = 	snop  }
.LBB2_36:
0x192: {  	_ =	sfence.sel $0x180000  }
0x193: {  	[bflag:$0x0] =	sbarrier.arrive $0xFFFF  }
0x194: {  	_ =	strace $0x9000004A  }
0x195: {  	s0 =	stileid.u32;
	[bflag:$0x2] =	sbarrier.arrive $0xFFFF  }
0x196: {  	p0 =	sne.s32 s0, $0x0;
	s0 =	rddreg [dreg:$0x3]  }
0x197: {  	s0 =	sadd.s32 @!p0 $0x100000, s0  }
0x198: {  	[sflag:s0] =	ssyncadd.tile.s32 @!p0 $0x1;
	_ =	shalt  }
.Lfunc_end2:
_tile_overlayer_lowered:
.L_overlay_start_2:
0x199: {  	(tag) =	ssettag $0x2  }
0x19a: {  	s0 =	rddreg [dreg:$0x0];
	s2 =	stileid.u32  }
0x19b: {  	s1 =	rddreg [dreg:$0x1];
	p0 =	sne.s32 s2, $0x0  }
0x19c: {  	s3 =	rddreg [dreg:$0x2];
	[bflag:$0x3] =	sbarrier.arrive $0xFFFF;
	s2 =	simm.s32 @!p0 $0x1C02  }
0x19d: {  	[timem:s3], [sflag:s2] =	dma.local @!p0 [hbm:s0], s1  }
0x19e: {  	s0 =	simm.s32 @!p0 $0x2  }
0x19f: {  	_ =	swait.ge @!p0 [sflag:s0], s1  }
0x1a0: {  	s1 =	ssub.s32 @!p0 $0x0, s1;
	[sflag:s0] =	ssyncset.done @!p0 $0x0  }
0x1a1: {  	[sflag:s0] =	ssyncadd.s32 @!p0 s1  }
0x1a2: {  	[bflag:$0x3] =	sbarrier.arrive $0xFFFF  }
0x1a3: {  	_ =	shalt  }

</sc_bundles>
